<compile_context>
chip_gen: v7x
topology: tpu7x:2x2x1
jax: 0.10.2.dev20260603
libtpu: 0.0.44.dev20260713+nightly
codegen_flags: <defaults>
</compile_context>

<pallas_src>
import functools

import jax
import jax.numpy as jnp
from jax import lax
from jax.experimental import pallas as pl
from jax.experimental.pallas import tpu as pltpu
from jax.experimental.pallas import tpu_sc as plsc

B = 16
TOTAL = 4096
SEQ_LEN = 128
CLS_ID = 101
SEP_ID = 102
HALF = SEQ_LEN // 2


def _extract_splat(vec, lane_splat):
    return vec.at[lane_splat].get(mode="promise_in_bounds")


def _body(flat1_hbm, cu1_hbm, flat2_hbm, cu2_hbm,
          ow_hbm, om_hbm, ot_hbm,
          f1_v, f2_v, cu1_v, cu2_v, bw_v, bm_v, bt_v,
          sem_in, sem_cu, sem_out):
    s = lax.axis_index("s")

    cp3 = pltpu.make_async_copy(cu1_hbm.at[pl.ds(0, 16)], cu1_v, sem_cu)
    cp4 = pltpu.make_async_copy(cu2_hbm.at[pl.ds(0, 16)], cu2_v, sem_cu)
    cp3.start()
    cp4.start()
    cp3.wait()
    cp4.wait()
    lanes = lax.iota(jnp.int32, 16)
    shift = jnp.minimum(lanes + 1, 15)
    c1lo = cu1_v[...]
    c2lo = cu2_v[...]
    c1hi = jnp.where(lanes == 15, TOTAL,
                     c1lo.at[shift].get(mode="promise_in_bounds"))
    c2hi = jnp.where(lanes == 15, TOTAL,
                     c2lo.at[shift].get(mode="promise_in_bounds"))
    lane_splat = jnp.full((16,), s, jnp.int32)
    s1 = _extract_splat(c1lo, lane_splat)
    s2 = _extract_splat(c2lo, lane_splat)

    WIN = 136
    base1 = pl.multiple_of(jnp.max(jnp.minimum(s1 & -8, TOTAL - WIN)), 8)
    base2 = pl.multiple_of(jnp.max(jnp.minimum(s2 & -8, TOTAL - WIN)), 8)
    cp1 = pltpu.make_async_copy(flat1_hbm.at[pl.ds(base1, WIN)], f1_v, sem_in)
    cp2 = pltpu.make_async_copy(flat2_hbm.at[pl.ds(base2, WIN)], f2_v, sem_in)
    cp1.start()
    cp2.start()

    len1 = c1hi - c1lo
    len2 = c2hi - c2lo
    avail = SEQ_LEN - 3
    cap1 = (avail + 1) // 2
    l1v = jnp.minimum(len1, jnp.maximum(cap1, avail - len2))
    l2v = jnp.minimum(len2, avail - l1v)

    l1 = _extract_splat(l1v, lane_splat)
    l2 = _extract_splat(l2v, lane_splat)
    end = l1 + l2 + 2

    cp1.wait()
    cp2.wait()

    for j in range(SEQ_LEN // 16):
        idx = j * 16 + lanes
        g1 = jnp.clip(s1 + idx - 1 - base1, 0, WIN - 1)
        g2 = jnp.clip(s2 + (idx - l1 - 2) - base2, 0, WIN - 1)
        tok1 = plsc.load_gather(f1_v, [g1])
        tok2 = plsc.load_gather(f2_v, [g2])

        in1 = (idx >= 1) & (idx <= l1)
        in2 = (idx >= l1 + 2) & (idx <= end)
        is_sep = (idx == l1 + 1) | (idx == end)

        word = jnp.where(idx == 0, CLS_ID, 0)
        word = jnp.where(in1, tok1, word)
        word = jnp.where(in2, tok2, word)
        word = jnp.where(is_sep, SEP_ID, word)

        sl = pl.ds(j * 16, 16)
        bw_v[sl] = word
        bm_v[sl] = (idx <= end).astype(jnp.int32)
        bt_v[sl] = in2.astype(jnp.int32)

    ocp1 = pltpu.make_async_copy(bw_v, ow_hbm.at[s], sem_out)
    ocp2 = pltpu.make_async_copy(bm_v, om_hbm.at[s], sem_out)
    ocp3 = pltpu.make_async_copy(bt_v, ot_hbm.at[s], sem_out)
    ocp1.start()
    ocp2.start()
    ocp3.start()
    ocp1.wait()
    ocp2.wait()
    ocp3.wait()


@jax.jit
def kernel(flat1, cu_seqlens1, flat2, cu_seqlens2):
    mesh = plsc.VectorSubcoreMesh(core_axis_name="c", subcore_axis_name="s",
                                  num_cores=1)
    run = functools.partial(
        pl.kernel,
        out_type=[jax.ShapeDtypeStruct((B, SEQ_LEN), jnp.int32)] * 3,
        mesh=mesh,
        compiler_params=pltpu.CompilerParams(needs_layout_passes=False),
        scratch_types=[
            pltpu.VMEM((136,), jnp.int32),
            pltpu.VMEM((136,), jnp.int32),
            pltpu.VMEM((B,), jnp.int32),
            pltpu.VMEM((B,), jnp.int32),
            pltpu.VMEM((SEQ_LEN,), jnp.int32),
            pltpu.VMEM((SEQ_LEN,), jnp.int32),
            pltpu.VMEM((SEQ_LEN,), jnp.int32),
            pltpu.SemaphoreType.DMA,
            pltpu.SemaphoreType.DMA,
            pltpu.SemaphoreType.DMA,
        ],
    )(_body)
    return tuple(run(flat1, cu_seqlens1, flat2, cu_seqlens2))

# --- scband reference (transcript-rebuilt; emitter-appended) ---
"""Pipeline reference for scband-bert-input-processor-1090921693513 (READ-ONLY COPY).

The authoritative reference and input builder live on the scoring server;
editing this copy changes nothing except your own understanding.
"""

import jax, jax.numpy as jnp
import numpy as np

B = 16
TOTAL = 4096
SEQ_LEN = 128
VOCAB = 30522
CLS_ID = 101
SEP_ID = 102


def setup_inputs(seed: int = 0) -> dict:
    key = jax.random.key(seed)
    k1, k2, k3, k4 = jax.random.split(key, 4)
    flat1 = jax.random.randint(k1, (TOTAL,), 0, VOCAB, dtype=jnp.int32)
    flat2 = jax.random.randint(k2, (TOTAL,), 0, VOCAB, dtype=jnp.int32)

    def make_cu(k):
        mid = jnp.sort(jax.random.randint(k, (B - 1,), 0, TOTAL, dtype=jnp.int32))
        return jnp.concatenate([jnp.zeros((1,), jnp.int32), mid, jnp.full((1,), TOTAL, jnp.int32)])

    cu_seqlens1 = make_cu(k3)
    cu_seqlens2 = make_cu(k4)
    return {"flat1": flat1, "cu_seqlens1": cu_seqlens1, "flat2": flat2, "cu_seqlens2": cu_seqlens2}


def reference(flat1, cu_seqlens1, flat2, cu_seqlens2):
    # JAX port of BertInputProcessor: tokenized ragged sentence pairs -> BertPackInputs.
    # Tokenization (string -> ids) is modeled as the pre-tokenized ragged inputs
    # (flat token ids + cu_seqlens). The packer logic ([CLS] seg1 [SEP] seg2 [SEP],
    # round-robin truncation to seq_length, mask + type ids) is reproduced faithfully.
    seq_len = SEQ_LEN
    start1 = cu_seqlens1[:-1]
    len1 = cu_seqlens1[1:] - start1
    start2 = cu_seqlens2[:-1]
    len2 = cu_seqlens2[1:] - start2

    avail = seq_len - 3  # room for [CLS] and two [SEP]
    cap1 = (avail + 1) // 2
    # round-robin truncation: each segment gets ~half, leftover goes to the other
    l1 = jnp.minimum(len1, jnp.maximum(cap1, avail - len2))
    l2 = jnp.minimum(len2, avail - l1)

    l1 = l1[:, None]
    l2 = l2[:, None]
    s1 = start1[:, None]
    s2 = start2[:, None]
    idx = jnp.arange(seq_len, dtype=jnp.int32)[None, :]

    g1 = jnp.clip(s1 + idx - 1, 0, flat1.shape[0] - 1)
    g2 = jnp.clip(s2 + (idx - l1 - 2), 0, flat2.shape[0] - 1)
    tok1 = flat1[g1]
    tok2 = flat2[g2]

    is_cls = idx == 0
    in1 = (idx >= 1) & (idx <= l1)
    is_sep1 = idx == l1 + 1
    in2 = (idx >= l1 + 2) & (idx <= l1 + 1 + l2)
    is_sep2 = idx == l1 + l2 + 2

    word_ids = jnp.where(is_cls, CLS_ID, 0)
    word_ids = jnp.where(in1, tok1, word_ids)
    word_ids = jnp.where(in2, tok2, word_ids)
    word_ids = jnp.where(is_sep1 | is_sep2, SEP_ID, word_ids)

    input_mask = (idx <= l1 + l2 + 2).astype(jnp.int32)
    input_type_ids = ((idx >= l1 + 2) & (idx <= l1 + l2 + 2)).astype(jnp.int32)

    return word_ids.astype(jnp.int32), input_mask, input_type_ids

if __name__ == "__main__":
    import jax
    _d = setup_inputs()
    print(jax.jit(kernel)(*tuple(_d.values())))

</pallas_src>

<mosaic_0001>
#map = affine_map<(d0, d1) -> (0)>
#map1 = affine_map<(d0, d1) -> (0, 0)>
module attributes {stable_mosaic.version = 14 : i64} {
  func.func @_body(%arg0: i32, %arg1: i32, %arg2: memref<4096xi32, #tpu.memory_space<hbm>>, %arg3: memref<17xi32, #tpu.memory_space<hbm>>, %arg4: memref<4096xi32, #tpu.memory_space<hbm>>, %arg5: memref<17xi32, #tpu.memory_space<hbm>>, %arg6: memref<16x128xi32, #tpu.memory_space<hbm>>, %arg7: memref<16x128xi32, #tpu.memory_space<hbm>>, %arg8: memref<16x128xi32, #tpu.memory_space<hbm>>, %arg9: memref<136xi32, #tpu.memory_space<vmem>>, %arg10: memref<136xi32, #tpu.memory_space<vmem>>, %arg11: memref<16xi32, #tpu.memory_space<vmem>>, %arg12: memref<16xi32, #tpu.memory_space<vmem>>, %arg13: memref<128xi32, #tpu.memory_space<vmem>>, %arg14: memref<128xi32, #tpu.memory_space<vmem>>, %arg15: memref<128xi32, #tpu.memory_space<vmem>>, %arg16: memref<!tpu.dma_semaphore, #tpu.memory_space<semaphore_mem>>, %arg17: memref<!tpu.dma_semaphore, #tpu.memory_space<semaphore_mem>>, %arg18: memref<!tpu.dma_semaphore, #tpu.memory_space<semaphore_mem>>) attributes {dimension_semantics = [#tpu.dimension_semantics<core_parallel>, #tpu.dimension_semantics<subcore_parallel>], iteration_bounds = array<i64: 1, 16>, scalar_prefetch = 0 : i64, scratch_operands = 10 : i64, tpu.core_type = #tpu.core_type<sc_vector_subcore>, window_params = [{transform_indices = #map}, {transform_indices = #map}, {transform_indices = #map}, {transform_indices = #map}, {transform_indices = #map1}, {transform_indices = #map1}, {transform_indices = #map1}]} {
    %dma_start3A = arith.constant 0 : i32
    %dma_start3A_0 = tpu.memref_slice %arg3[%dma_start3A] : memref<17xi32, #tpu.memory_space<hbm>> -> memref<16xi32, #tpu.memory_space<hbm>>
    %dma_start3A_1 = arith.constant 0 : i32
    %dma_start3A_2 = tpu.memref_slice %arg3[%dma_start3A_1] : memref<17xi32, #tpu.memory_space<hbm>> -> memref<16xi32, #tpu.memory_space<hbm>>
    tpu.enqueue_dma source(%dma_start3A_2 : memref<16xi32, #tpu.memory_space<hbm>>) target(%arg11 : memref<16xi32, #tpu.memory_space<vmem>>) target_semaphore(%arg17 : memref<!tpu.dma_semaphore, #tpu.memory_space<semaphore_mem>>)
    %dma_start3A_3 = arith.constant 0 : i32
    %dma_start3A_4 = tpu.memref_slice %arg5[%dma_start3A_3] : memref<17xi32, #tpu.memory_space<hbm>> -> memref<16xi32, #tpu.memory_space<hbm>>
    %dma_start3A_5 = arith.constant 0 : i32
    %dma_start3A_6 = tpu.memref_slice %arg5[%dma_start3A_5] : memref<17xi32, #tpu.memory_space<hbm>> -> memref<16xi32, #tpu.memory_space<hbm>>
    tpu.enqueue_dma source(%dma_start3A_6 : memref<16xi32, #tpu.memory_space<hbm>>) target(%arg12 : memref<16xi32, #tpu.memory_space<vmem>>) target_semaphore(%arg17 : memref<!tpu.dma_semaphore, #tpu.memory_space<semaphore_mem>>)
    %dma_wait3A = arith.constant 0 : i32
    %dma_wait3A_7 = tpu.memref_slice %arg3[%dma_wait3A] : memref<17xi32, #tpu.memory_space<hbm>> -> memref<16xi32, #tpu.memory_space<hbm>>
    %dma_wait3A_8 = arith.constant 0 : i32
    %dma_wait3A_9 = tpu.memref_slice %arg3[%dma_wait3A_8] : memref<17xi32, #tpu.memory_space<hbm>> -> memref<16xi32, #tpu.memory_space<hbm>>
    tpu.wait_dma2 semaphore(%arg17 : memref<!tpu.dma_semaphore, #tpu.memory_space<semaphore_mem>>) src(%dma_wait3A_9 : memref<16xi32, #tpu.memory_space<hbm>>) dst(%arg11 : memref<16xi32, #tpu.memory_space<vmem>>)
    %dma_wait3A_10 = arith.constant 0 : i32
    %dma_wait3A_11 = tpu.memref_slice %arg5[%dma_wait3A_10] : memref<17xi32, #tpu.memory_space<hbm>> -> memref<16xi32, #tpu.memory_space<hbm>>
    %dma_wait3A_12 = arith.constant 0 : i32
    %dma_wait3A_13 = tpu.memref_slice %arg5[%dma_wait3A_12] : memref<17xi32, #tpu.memory_space<hbm>> -> memref<16xi32, #tpu.memory_space<hbm>>
    tpu.wait_dma2 semaphore(%arg17 : memref<!tpu.dma_semaphore, #tpu.memory_space<semaphore_mem>>) src(%dma_wait3A_13 : memref<16xi32, #tpu.memory_space<hbm>>) dst(%arg12 : memref<16xi32, #tpu.memory_space<vmem>>)
    %iota3A = tpu.iota {dimensions = array<i32: 0>} : vector<16xi32>
    %add3A = arith.constant 1 : i32
    %add3A_14 = vector.broadcast %add3A : i32 to vector<16xi32>
    %add3A_15 = arith.addi %iota3A, %add3A_14 : vector<16xi32>
    %min3A = arith.constant 15 : i32
    %min3A_16 = vector.broadcast %min3A : i32 to vector<16xi32>
    %min3A_17 = arith.minsi %add3A_15, %min3A_16 : vector<16xi32>
    %get3A = arith.constant 0 : index
    %get3A_18 = tpu.vector_load %arg11[%get3A] {strides = array<i32>} : memref<16xi32, #tpu.memory_space<vmem>>, vector<16xi32>,
    %get3A_19 = arith.constant 0 : index
    %get3A_20 = tpu.vector_load %arg12[%get3A_19] {strides = array<i32>} : memref<16xi32, #tpu.memory_space<vmem>>, vector<16xi32>,
    %eq3A = arith.constant 15 : i32
    %eq3A_21 = vector.broadcast %eq3A : i32 to vector<16xi32>
    %eq3A_22 = arith.cmpi eq, %iota3A, %eq3A_21 : vector<16xi32>
    %lt3A = arith.constant 0 : i32
    %lt3A_23 = vector.broadcast %lt3A : i32 to vector<16xi32>
    %lt3A_24 = arith.cmpi slt, %min3A_17, %lt3A_23 : vector<16xi32>
    %add3A_25 = arith.constant 16 : i32
    %add3A_26 = vector.broadcast %add3A_25 : i32 to vector<16xi32>
    %add3A_27 = arith.addi %min3A_17, %add3A_26 : vector<16xi32>
    %select_n3A = arith.select %lt3A_24, %add3A_27, %min3A_17 : vector<16xi1>, vector<16xi32>
    %broadcast_in_dim3A = vector.shape_cast %select_n3A : vector<16xi32> to vector<16x1xi32>
    %gather3A = vector.shape_cast %broadcast_in_dim3A : vector<16x1xi32> to vector<16xi32>
    %gather3A_28 = tpu.dynamic_gather %get3A_18[%gather3A] in [0] : vector<16xi32>, vector<16xi32> -> vector<16xi32>
    %jit3A = arith.constant 4096 : i32
    %broadcast_in_dim3A_29 = vector.broadcast %jit3A : i32 to vector<16xi32>
    %select_n3A_30 = arith.select %eq3A_22, %broadcast_in_dim3A_29, %gather3A_28 : vector<16xi1>, vector<16xi32>
    %eq3A_31 = arith.constant 15 : i32
    %eq3A_32 = vector.broadcast %eq3A_31 : i32 to vector<16xi32>
    %eq3A_33 = arith.cmpi eq, %iota3A, %eq3A_32 : vector<16xi32>
    %lt3A_34 = arith.constant 0 : i32
    %lt3A_35 = vector.broadcast %lt3A_34 : i32 to vector<16xi32>
    %lt3A_36 = arith.cmpi slt, %min3A_17, %lt3A_35 : vector<16xi32>
    %add3A_37 = arith.constant 16 : i32
    %add3A_38 = vector.broadcast %add3A_37 : i32 to vector<16xi32>
    %add3A_39 = arith.addi %min3A_17, %add3A_38 : vector<16xi32>
    %select_n3A_40 = arith.select %lt3A_36, %add3A_39, %min3A_17 : vector<16xi1>, vector<16xi32>
    %broadcast_in_dim3A_41 = vector.shape_cast %select_n3A_40 : vector<16xi32> to vector<16x1xi32>
    %gather3A_42 = vector.shape_cast %broadcast_in_dim3A_41 : vector<16x1xi32> to vector<16xi32>
    %gather3A_43 = tpu.dynamic_gather %get3A_20[%gather3A_42] in [0] : vector<16xi32>, vector<16xi32> -> vector<16xi32>
    %jit3A_44 = arith.constant 4096 : i32
    %broadcast_in_dim3A_45 = vector.broadcast %jit3A_44 : i32 to vector<16xi32>
    %select_n3A_46 = arith.select %eq3A_33, %broadcast_in_dim3A_45, %gather3A_43 : vector<16xi1>, vector<16xi32>
    %broadcast_in_dim3A_47 = vector.broadcast %arg1 : i32 to vector<16xi32>
    %lt3A_48 = arith.constant 0 : i32
    %lt3A_49 = vector.broadcast %lt3A_48 : i32 to vector<16xi32>
    %lt3A_50 = arith.cmpi slt, %broadcast_in_dim3A_47, %lt3A_49 : vector<16xi32>
    %add3A_51 = arith.constant 16 : i32
    %add3A_52 = vector.broadcast %add3A_51 : i32 to vector<16xi32>
    %add3A_53 = arith.addi %broadcast_in_dim3A_47, %add3A_52 : vector<16xi32>
    %select_n3A_54 = arith.select %lt3A_50, %add3A_53, %broadcast_in_dim3A_47 : vector<16xi1>, vector<16xi32>
    %broadcast_in_dim3A_55 = vector.shape_cast %select_n3A_54 : vector<16xi32> to vector<16x1xi32>
    %gather3A_56 = vector.shape_cast %broadcast_in_dim3A_55 : vector<16x1xi32> to vector<16xi32>
    %gather3A_57 = tpu.dynamic_gather %get3A_18[%gather3A_56] in [0] : vector<16xi32>, vector<16xi32> -> vector<16xi32>
    %lt3A_58 = arith.constant 0 : i32
    %lt3A_59 = vector.broadcast %lt3A_58 : i32 to vector<16xi32>
    %lt3A_60 = arith.cmpi slt, %broadcast_in_dim3A_47, %lt3A_59 : vector<16xi32>
    %add3A_61 = arith.constant 16 : i32
    %add3A_62 = vector.broadcast %add3A_61 : i32 to vector<16xi32>
    %add3A_63 = arith.addi %broadcast_in_dim3A_47, %add3A_62 : vector<16xi32>
    %select_n3A_64 = arith.select %lt3A_60, %add3A_63, %broadcast_in_dim3A_47 : vector<16xi1>, vector<16xi32>
    %broadcast_in_dim3A_65 = vector.shape_cast %select_n3A_64 : vector<16xi32> to vector<16x1xi32>
    %gather3A_66 = vector.shape_cast %broadcast_in_dim3A_65 : vector<16x1xi32> to vector<16xi32>
    %gather3A_67 = tpu.dynamic_gather %get3A_20[%gather3A_66] in [0] : vector<16xi32>, vector<16xi32> -> vector<16xi32>
    %and3A = arith.constant -8 : i32
    %and3A_68 = vector.broadcast %and3A : i32 to vector<16xi32>
    %and3A_69 = arith.andi %gather3A_57, %and3A_68 : vector<16xi32>
    %min3A_70 = arith.constant 3960 : i32
    %min3A_71 = vector.broadcast %min3A_70 : i32 to vector<16xi32>
    %min3A_72 = arith.minsi %and3A_69, %min3A_71 : vector<16xi32>
    %reduce_max3A = arith.constant true
    %reduce_max3A_73 = vector.broadcast %reduce_max3A : i1 to vector<16xi1>
    %reduce_max3A_74 = arith.constant -2147483648 : i32
    %reduce_max3A_75 = vector.broadcast %reduce_max3A_74 : i32 to vector<16xi32>
    %reduce_max3A_76 = arith.xori %min3A_72, %reduce_max3A_75 : vector<16xi32>
    %reduce_max3A_77 = tpu.scan <max>, %reduce_max3A_76 masked %reduce_max3A_73 : vector<16xi32>, vector<16xi1> -> vector<16xi32>
    %reduce_max3A_78 = arith.xori %reduce_max3A_77, %reduce_max3A_75 : vector<16xi32>
    %reduce_max3A_79 = vector.extract %reduce_max3A_78[15] : i32 from vector<16xi32>
    %multiple_of3A = tpu.assume_multiple %reduce_max3A_79, 8 : i32
    %and3A_80 = arith.constant -8 : i32
    %and3A_81 = vector.broadcast %and3A_80 : i32 to vector<16xi32>
    %and3A_82 = arith.andi %gather3A_67, %and3A_81 : vector<16xi32>
    %min3A_83 = arith.constant 3960 : i32
    %min3A_84 = vector.broadcast %min3A_83 : i32 to vector<16xi32>
    %min3A_85 = arith.minsi %and3A_82, %min3A_84 : vector<16xi32>
    %reduce_max3A_86 = arith.constant true
    %reduce_max3A_87 = vector.broadcast %reduce_max3A_86 : i1 to vector<16xi1>
    %reduce_max3A_88 = arith.constant -2147483648 : i32
    %reduce_max3A_89 = vector.broadcast %reduce_max3A_88 : i32 to vector<16xi32>
    %reduce_max3A_90 = arith.xori %min3A_85, %reduce_max3A_89 : vector<16xi32>
    %reduce_max3A_91 = tpu.scan <max>, %reduce_max3A_90 masked %reduce_max3A_87 : vector<16xi32>, vector<16xi1> -> vector<16xi32>
    %reduce_max3A_92 = arith.xori %reduce_max3A_91, %reduce_max3A_89 : vector<16xi32>
    %reduce_max3A_93 = vector.extract %reduce_max3A_92[15] : i32 from vector<16xi32>
    %multiple_of3A_94 = tpu.assume_multiple %reduce_max3A_93, 8 : i32
    %dma_start3A_95 = tpu.memref_slice %arg2[%multiple_of3A] : memref<4096xi32, #tpu.memory_space<hbm>> -> memref<136xi32, #tpu.memory_space<hbm>>
    %dma_start3A_96 = tpu.memref_slice %arg2[%multiple_of3A] : memref<4096xi32, #tpu.memory_space<hbm>> -> memref<136xi32, #tpu.memory_space<hbm>>
    tpu.enqueue_dma source(%dma_start3A_96 : memref<136xi32, #tpu.memory_space<hbm>>) target(%arg9 : memref<136xi32, #tpu.memory_space<vmem>>) target_semaphore(%arg16 : memref<!tpu.dma_semaphore, #tpu.memory_space<semaphore_mem>>)
    %dma_start3A_97 = tpu.memref_slice %arg4[%multiple_of3A_94] : memref<4096xi32, #tpu.memory_space<hbm>> -> memref<136xi32, #tpu.memory_space<hbm>>
    %dma_start3A_98 = tpu.memref_slice %arg4[%multiple_of3A_94] : memref<4096xi32, #tpu.memory_space<hbm>> -> memref<136xi32, #tpu.memory_space<hbm>>
    tpu.enqueue_dma source(%dma_start3A_98 : memref<136xi32, #tpu.memory_space<hbm>>) target(%arg10 : memref<136xi32, #tpu.memory_space<vmem>>) target_semaphore(%arg16 : memref<!tpu.dma_semaphore, #tpu.memory_space<semaphore_mem>>)
    %sub3A = arith.subi %select_n3A_30, %get3A_18 : vector<16xi32>
    %sub3A_99 = arith.subi %select_n3A_46, %get3A_20 : vector<16xi32>
    %sub3A_100 = arith.constant 125 : i32
    %sub3A_101 = vector.broadcast %sub3A_100 : i32 to vector<16xi32>
    %sub3A_102 = arith.subi %sub3A_101, %sub3A_99 : vector<16xi32>
    %max3A = arith.constant 63 : i32
    %max3A_103 = vector.broadcast %max3A : i32 to vector<16xi32>
    %max3A_104 = arith.maxsi %max3A_103, %sub3A_102 : vector<16xi32>
    %min3A_105 = arith.minsi %sub3A, %max3A_104 : vector<16xi32>
    %sub3A_106 = arith.constant 125 : i32
    %sub3A_107 = vector.broadcast %sub3A_106 : i32 to vector<16xi32>
    %sub3A_108 = arith.subi %sub3A_107, %min3A_105 : vector<16xi32>
    %min3A_109 = arith.minsi %sub3A_99, %sub3A_108 : vector<16xi32>
    %lt3A_110 = arith.constant 0 : i32
    %lt3A_111 = vector.broadcast %lt3A_110 : i32 to vector<16xi32>
    %lt3A_112 = arith.cmpi slt, %broadcast_in_dim3A_47, %lt3A_111 : vector<16xi32>
    %add3A_113 = arith.constant 16 : i32
    %add3A_114 = vector.broadcast %add3A_113 : i32 to vector<16xi32>
    %add3A_115 = arith.addi %broadcast_in_dim3A_47, %add3A_114 : vector<16xi32>
    %select_n3A_116 = arith.select %lt3A_112, %add3A_115, %broadcast_in_dim3A_47 : vector<16xi1>, vector<16xi32>
    %broadcast_in_dim3A_117 = vector.shape_cast %select_n3A_116 : vector<16xi32> to vector<16x1xi32>
    %gather3A_118 = vector.shape_cast %broadcast_in_dim3A_117 : vector<16x1xi32> to vector<16xi32>
    %gather3A_119 = tpu.dynamic_gather %min3A_105[%gather3A_118] in [0] : vector<16xi32>, vector<16xi32> -> vector<16xi32>
    %lt3A_120 = arith.constant 0 : i32
    %lt3A_121 = vector.broadcast %lt3A_120 : i32 to vector<16xi32>
    %lt3A_122 = arith.cmpi slt, %broadcast_in_dim3A_47, %lt3A_121 : vector<16xi32>
    %add3A_123 = arith.constant 16 : i32
    %add3A_124 = vector.broadcast %add3A_123 : i32 to vector<16xi32>
    %add3A_125 = arith.addi %broadcast_in_dim3A_47, %add3A_124 : vector<16xi32>
    %select_n3A_126 = arith.select %lt3A_122, %add3A_125, %broadcast_in_dim3A_47 : vector<16xi1>, vector<16xi32>
    %broadcast_in_dim3A_127 = vector.shape_cast %select_n3A_126 : vector<16xi32> to vector<16x1xi32>
    %gather3A_128 = vector.shape_cast %broadcast_in_dim3A_127 : vector<16x1xi32> to vector<16xi32>
    %gather3A_129 = tpu.dynamic_gather %min3A_109[%gather3A_128] in [0] : vector<16xi32>, vector<16xi32> -> vector<16xi32>
    %add3A_130 = arith.addi %gather3A_119, %gather3A_129 : vector<16xi32>
    %add3A_131 = arith.constant 2 : i32
    %add3A_132 = vector.broadcast %add3A_131 : i32 to vector<16xi32>
    %add3A_133 = arith.addi %add3A_130, %add3A_132 : vector<16xi32>
    %dma_wait3A_134 = tpu.memref_slice %arg2[%multiple_of3A] : memref<4096xi32, #tpu.memory_space<hbm>> -> memref<136xi32, #tpu.memory_space<hbm>>
    %dma_wait3A_135 = tpu.memref_slice %arg2[%multiple_of3A] : memref<4096xi32, #tpu.memory_space<hbm>> -> memref<136xi32, #tpu.memory_space<hbm>>
    tpu.wait_dma2 semaphore(%arg16 : memref<!tpu.dma_semaphore, #tpu.memory_space<semaphore_mem>>) src(%dma_wait3A_135 : memref<136xi32, #tpu.memory_space<hbm>>) dst(%arg9 : memref<136xi32, #tpu.memory_space<vmem>>)
    %dma_wait3A_136 = tpu.memref_slice %arg4[%multiple_of3A_94] : memref<4096xi32, #tpu.memory_space<hbm>> -> memref<136xi32, #tpu.memory_space<hbm>>
    %dma_wait3A_137 = tpu.memref_slice %arg4[%multiple_of3A_94] : memref<4096xi32, #tpu.memory_space<hbm>> -> memref<136xi32, #tpu.memory_space<hbm>>
    tpu.wait_dma2 semaphore(%arg16 : memref<!tpu.dma_semaphore, #tpu.memory_space<semaphore_mem>>) src(%dma_wait3A_137 : memref<136xi32, #tpu.memory_space<hbm>>) dst(%arg10 : memref<136xi32, #tpu.memory_space<vmem>>)
    %add3A_138 = arith.constant 0 : i32
    %add3A_139 = vector.broadcast %add3A_138 : i32 to vector<16xi32>
    %add3A_140 = arith.addi %add3A_139, %iota3A : vector<16xi32>
    %add3A_141 = arith.addi %gather3A_57, %add3A_140 : vector<16xi32>
    %sub3A_142 = arith.constant 1 : i32
    %sub3A_143 = vector.broadcast %sub3A_142 : i32 to vector<16xi32>
    %sub3A_144 = arith.subi %add3A_141, %sub3A_143 : vector<16xi32>
    %sub3A_145 = vector.broadcast %multiple_of3A : i32 to vector<16xi32>
    %sub3A_146 = arith.subi %sub3A_144, %sub3A_145 : vector<16xi32>
    %jit3A_147 = arith.constant 0 : i32
    %jit3A_148 = arith.constant 135 : i32
    %max3A_149 = vector.broadcast %jit3A_147 : i32 to vector<16xi32>
    %max3A_150 = arith.maxsi %max3A_149, %sub3A_146 : vector<16xi32>
    %min3A_151 = vector.broadcast %jit3A_148 : i32 to vector<16xi32>
    %min3A_152 = arith.minsi %min3A_151, %max3A_150 : vector<16xi32>
    %sub3A_153 = arith.subi %add3A_140, %gather3A_119 : vector<16xi32>
    %sub3A_154 = arith.constant 2 : i32
    %sub3A_155 = vector.broadcast %sub3A_154 : i32 to vector<16xi32>
    %sub3A_156 = arith.subi %sub3A_153, %sub3A_155 : vector<16xi32>
    %add3A_157 = arith.addi %gather3A_67, %sub3A_156 : vector<16xi32>
    %sub3A_158 = vector.broadcast %multiple_of3A_94 : i32 to vector<16xi32>
    %sub3A_159 = arith.subi %add3A_157, %sub3A_158 : vector<16xi32>
    %jit3A_160 = arith.constant 0 : i32
    %jit3A_161 = arith.constant 135 : i32
    %max3A_162 = vector.broadcast %jit3A_160 : i32 to vector<16xi32>
    %max3A_163 = arith.maxsi %max3A_162, %sub3A_159 : vector<16xi32>
    %min3A_164 = vector.broadcast %jit3A_161 : i32 to vector<16xi32>
    %min3A_165 = arith.minsi %min3A_164, %max3A_163 : vector<16xi32>
    %gather3A_166 = tpu.vector_load_idx %arg9[%min3A_152] : memref<136xi32, #tpu.memory_space<vmem>>[vector<16xi32>], vector<16xi32>,
    %gather3A_167 = tpu.vector_load_idx %arg10[%min3A_165] : memref<136xi32, #tpu.memory_space<vmem>>[vector<16xi32>], vector<16xi32>,
    %ge3A = arith.constant 1 : i32
    %ge3A_168 = vector.broadcast %ge3A : i32 to vector<16xi32>
    %ge3A_169 = arith.cmpi sge, %add3A_140, %ge3A_168 : vector<16xi32>
    %le3A = arith.cmpi sle, %add3A_140, %gather3A_119 : vector<16xi32>
    %and3A_170 = arith.andi %ge3A_169, %le3A : vector<16xi1>
    %add3A_171 = arith.constant 2 : i32
    %add3A_172 = vector.broadcast %add3A_171 : i32 to vector<16xi32>
    %add3A_173 = arith.addi %gather3A_119, %add3A_172 : vector<16xi32>
    %ge3A_174 = arith.cmpi sge, %add3A_140, %add3A_173 : vector<16xi32>
    %le3A_175 = arith.cmpi sle, %add3A_140, %add3A_133 : vector<16xi32>
    %and3A_176 = arith.andi %ge3A_174, %le3A_175 : vector<16xi1>
    %add3A_177 = arith.constant 1 : i32
    %add3A_178 = vector.broadcast %add3A_177 : i32 to vector<16xi32>
    %add3A_179 = arith.addi %gather3A_119, %add3A_178 : vector<16xi32>
    %eq3A_180 = arith.cmpi eq, %add3A_140, %add3A_179 : vector<16xi32>
    %eq3A_181 = arith.cmpi eq, %add3A_140, %add3A_133 : vector<16xi32>
    %or3A = arith.ori %eq3A_180, %eq3A_181 : vector<16xi1>
    %eq3A_182 = arith.constant 0 : i32
    %eq3A_183 = vector.broadcast %eq3A_182 : i32 to vector<16xi32>
    %eq3A_184 = arith.cmpi eq, %add3A_140, %eq3A_183 : vector<16xi32>
    %jit3A_185 = arith.constant 101 : i32
    %jit3A_186 = arith.constant 0 : i32
    %broadcast_in_dim3A_187 = vector.broadcast %jit3A_185 : i32 to vector<16xi32>
    %broadcast_in_dim3A_188 = vector.broadcast %jit3A_186 : i32 to vector<16xi32>
    %select_n3A_189 = arith.select %eq3A_184, %broadcast_in_dim3A_187, %broadcast_in_dim3A_188 : vector<16xi1>, vector<16xi32>
    %select_n3A_190 = arith.select %and3A_170, %gather3A_166, %select_n3A_189 : vector<16xi1>, vector<16xi32>
    %select_n3A_191 = arith.select %and3A_176, %gather3A_167, %select_n3A_190 : vector<16xi1>, vector<16xi32>
    %jit3A_192 = arith.constant 102 : i32
    %broadcast_in_dim3A_193 = vector.broadcast %jit3A_192 : i32 to vector<16xi32>
    %select_n3A_194 = arith.select %or3A, %broadcast_in_dim3A_193, %select_n3A_191 : vector<16xi1>, vector<16xi32>
    %swap3A = arith.constant 0 : index
    %swap3A_195 = tpu.vector_load %arg13[%swap3A] {strides = array<i32>} : memref<128xi32, #tpu.memory_space<vmem>>, vector<16xi32>,
    tpu.vector_store %arg13[%swap3A], %select_n3A_194 {strides = array<i32>} : memref<128xi32, #tpu.memory_space<vmem>>, vector<16xi32>,
    %le3A_196 = arith.cmpi sle, %add3A_140, %add3A_133 : vector<16xi32>
    %convert_element_type3A = arith.extui %le3A_196 : vector<16xi1> to vector<16xi32>
    %swap3A_197 = arith.constant 0 : index
    %swap3A_198 = tpu.vector_load %arg14[%swap3A_197] {strides = array<i32>} : memref<128xi32, #tpu.memory_space<vmem>>, vector<16xi32>,
    tpu.vector_store %arg14[%swap3A_197], %convert_element_type3A {strides = array<i32>} : memref<128xi32, #tpu.memory_space<vmem>>, vector<16xi32>,
    %convert_element_type3A_199 = arith.extui %and3A_176 : vector<16xi1> to vector<16xi32>
    %swap3A_200 = arith.constant 0 : index
    %swap3A_201 = tpu.vector_load %arg15[%swap3A_200] {strides = array<i32>} : memref<128xi32, #tpu.memory_space<vmem>>, vector<16xi32>,
    tpu.vector_store %arg15[%swap3A_200], %convert_element_type3A_199 {strides = array<i32>} : memref<128xi32, #tpu.memory_space<vmem>>, vector<16xi32>,
    %add3A_202 = arith.constant 16 : i32
    %add3A_203 = vector.broadcast %add3A_202 : i32 to vector<16xi32>
    %add3A_204 = arith.addi %add3A_203, %iota3A : vector<16xi32>
    %add3A_205 = arith.addi %gather3A_57, %add3A_204 : vector<16xi32>
    %sub3A_206 = arith.constant 1 : i32
    %sub3A_207 = vector.broadcast %sub3A_206 : i32 to vector<16xi32>
    %sub3A_208 = arith.subi %add3A_205, %sub3A_207 : vector<16xi32>
    %sub3A_209 = vector.broadcast %multiple_of3A : i32 to vector<16xi32>
    %sub3A_210 = arith.subi %sub3A_208, %sub3A_209 : vector<16xi32>
    %jit3A_211 = arith.constant 0 : i32
    %jit3A_212 = arith.constant 135 : i32
    %max3A_213 = vector.broadcast %jit3A_211 : i32 to vector<16xi32>
    %max3A_214 = arith.maxsi %max3A_213, %sub3A_210 : vector<16xi32>
    %min3A_215 = vector.broadcast %jit3A_212 : i32 to vector<16xi32>
    %min3A_216 = arith.minsi %min3A_215, %max3A_214 : vector<16xi32>
    %sub3A_217 = arith.subi %add3A_204, %gather3A_119 : vector<16xi32>
    %sub3A_218 = arith.constant 2 : i32
    %sub3A_219 = vector.broadcast %sub3A_218 : i32 to vector<16xi32>
    %sub3A_220 = arith.subi %sub3A_217, %sub3A_219 : vector<16xi32>
    %add3A_221 = arith.addi %gather3A_67, %sub3A_220 : vector<16xi32>
    %sub3A_222 = vector.broadcast %multiple_of3A_94 : i32 to vector<16xi32>
    %sub3A_223 = arith.subi %add3A_221, %sub3A_222 : vector<16xi32>
    %jit3A_224 = arith.constant 0 : i32
    %jit3A_225 = arith.constant 135 : i32
    %max3A_226 = vector.broadcast %jit3A_224 : i32 to vector<16xi32>
    %max3A_227 = arith.maxsi %max3A_226, %sub3A_223 : vector<16xi32>
    %min3A_228 = vector.broadcast %jit3A_225 : i32 to vector<16xi32>
    %min3A_229 = arith.minsi %min3A_228, %max3A_227 : vector<16xi32>
    %gather3A_230 = tpu.vector_load_idx %arg9[%min3A_216] : memref<136xi32, #tpu.memory_space<vmem>>[vector<16xi32>], vector<16xi32>,
    %gather3A_231 = tpu.vector_load_idx %arg10[%min3A_229] : memref<136xi32, #tpu.memory_space<vmem>>[vector<16xi32>], vector<16xi32>,
    %ge3A_232 = arith.constant 1 : i32
    %ge3A_233 = vector.broadcast %ge3A_232 : i32 to vector<16xi32>
    %ge3A_234 = arith.cmpi sge, %add3A_204, %ge3A_233 : vector<16xi32>
    %le3A_235 = arith.cmpi sle, %add3A_204, %gather3A_119 : vector<16xi32>
    %and3A_236 = arith.andi %ge3A_234, %le3A_235 : vector<16xi1>
    %add3A_237 = arith.constant 2 : i32
    %add3A_238 = vector.broadcast %add3A_237 : i32 to vector<16xi32>
    %add3A_239 = arith.addi %gather3A_119, %add3A_238 : vector<16xi32>
    %ge3A_240 = arith.cmpi sge, %add3A_204, %add3A_239 : vector<16xi32>
    %le3A_241 = arith.cmpi sle, %add3A_204, %add3A_133 : vector<16xi32>
    %and3A_242 = arith.andi %ge3A_240, %le3A_241 : vector<16xi1>
    %add3A_243 = arith.constant 1 : i32
    %add3A_244 = vector.broadcast %add3A_243 : i32 to vector<16xi32>
    %add3A_245 = arith.addi %gather3A_119, %add3A_244 : vector<16xi32>
    %eq3A_246 = arith.cmpi eq, %add3A_204, %add3A_245 : vector<16xi32>
    %eq3A_247 = arith.cmpi eq, %add3A_204, %add3A_133 : vector<16xi32>
    %or3A_248 = arith.ori %eq3A_246, %eq3A_247 : vector<16xi1>
    %eq3A_249 = arith.constant 0 : i32
    %eq3A_250 = vector.broadcast %eq3A_249 : i32 to vector<16xi32>
    %eq3A_251 = arith.cmpi eq, %add3A_204, %eq3A_250 : vector<16xi32>
    %jit3A_252 = arith.constant 101 : i32
    %jit3A_253 = arith.constant 0 : i32
    %broadcast_in_dim3A_254 = vector.broadcast %jit3A_252 : i32 to vector<16xi32>
    %broadcast_in_dim3A_255 = vector.broadcast %jit3A_253 : i32 to vector<16xi32>
    %select_n3A_256 = arith.select %eq3A_251, %broadcast_in_dim3A_254, %broadcast_in_dim3A_255 : vector<16xi1>, vector<16xi32>
    %select_n3A_257 = arith.select %and3A_236, %gather3A_230, %select_n3A_256 : vector<16xi1>, vector<16xi32>
    %select_n3A_258 = arith.select %and3A_242, %gather3A_231, %select_n3A_257 : vector<16xi1>, vector<16xi32>
    %jit3A_259 = arith.constant 102 : i32
    %broadcast_in_dim3A_260 = vector.broadcast %jit3A_259 : i32 to vector<16xi32>
    %select_n3A_261 = arith.select %or3A_248, %broadcast_in_dim3A_260, %select_n3A_258 : vector<16xi1>, vector<16xi32>
    %swap3A_262 = arith.constant 16 : index
    %swap3A_263 = tpu.vector_load %arg13[%swap3A_262] {strides = array<i32>} : memref<128xi32, #tpu.memory_space<vmem>>, vector<16xi32>,
    tpu.vector_store %arg13[%swap3A_262], %select_n3A_261 {strides = array<i32>} : memref<128xi32, #tpu.memory_space<vmem>>, vector<16xi32>,
    %le3A_264 = arith.cmpi sle, %add3A_204, %add3A_133 : vector<16xi32>
    %convert_element_type3A_265 = arith.extui %le3A_264 : vector<16xi1> to vector<16xi32>
    %swap3A_266 = arith.constant 16 : index
    %swap3A_267 = tpu.vector_load %arg14[%swap3A_266] {strides = array<i32>} : memref<128xi32, #tpu.memory_space<vmem>>, vector<16xi32>,
    tpu.vector_store %arg14[%swap3A_266], %convert_element_type3A_265 {strides = array<i32>} : memref<128xi32, #tpu.memory_space<vmem>>, vector<16xi32>,
    %convert_element_type3A_268 = arith.extui %and3A_242 : vector<16xi1> to vector<16xi32>
    %swap3A_269 = arith.constant 16 : index
    %swap3A_270 = tpu.vector_load %arg15[%swap3A_269] {strides = array<i32>} : memref<128xi32, #tpu.memory_space<vmem>>, vector<16xi32>,
    tpu.vector_store %arg15[%swap3A_269], %convert_element_type3A_268 {strides = array<i32>} : memref<128xi32, #tpu.memory_space<vmem>>, vector<16xi32>,
    %add3A_271 = arith.constant 32 : i32
    %add3A_272 = vector.broadcast %add3A_271 : i32 to vector<16xi32>
    %add3A_273 = arith.addi %add3A_272, %iota3A : vector<16xi32>
    %add3A_274 = arith.addi %gather3A_57, %add3A_273 : vector<16xi32>
    %sub3A_275 = arith.constant 1 : i32
    %sub3A_276 = vector.broadcast %sub3A_275 : i32 to vector<16xi32>
    %sub3A_277 = arith.subi %add3A_274, %sub3A_276 : vector<16xi32>
    %sub3A_278 = vector.broadcast %multiple_of3A : i32 to vector<16xi32>
    %sub3A_279 = arith.subi %sub3A_277, %sub3A_278 : vector<16xi32>
    %jit3A_280 = arith.constant 0 : i32
    %jit3A_281 = arith.constant 135 : i32
    %max3A_282 = vector.broadcast %jit3A_280 : i32 to vector<16xi32>
    %max3A_283 = arith.maxsi %max3A_282, %sub3A_279 : vector<16xi32>
    %min3A_284 = vector.broadcast %jit3A_281 : i32 to vector<16xi32>
    %min3A_285 = arith.minsi %min3A_284, %max3A_283 : vector<16xi32>
    %sub3A_286 = arith.subi %add3A_273, %gather3A_119 : vector<16xi32>
    %sub3A_287 = arith.constant 2 : i32
    %sub3A_288 = vector.broadcast %sub3A_287 : i32 to vector<16xi32>
    %sub3A_289 = arith.subi %sub3A_286, %sub3A_288 : vector<16xi32>
    %add3A_290 = arith.addi %gather3A_67, %sub3A_289 : vector<16xi32>
    %sub3A_291 = vector.broadcast %multiple_of3A_94 : i32 to vector<16xi32>
    %sub3A_292 = arith.subi %add3A_290, %sub3A_291 : vector<16xi32>
    %jit3A_293 = arith.constant 0 : i32
    %jit3A_294 = arith.constant 135 : i32
    %max3A_295 = vector.broadcast %jit3A_293 : i32 to vector<16xi32>
    %max3A_296 = arith.maxsi %max3A_295, %sub3A_292 : vector<16xi32>
    %min3A_297 = vector.broadcast %jit3A_294 : i32 to vector<16xi32>
    %min3A_298 = arith.minsi %min3A_297, %max3A_296 : vector<16xi32>
    %gather3A_299 = tpu.vector_load_idx %arg9[%min3A_285] : memref<136xi32, #tpu.memory_space<vmem>>[vector<16xi32>], vector<16xi32>,
    %gather3A_300 = tpu.vector_load_idx %arg10[%min3A_298] : memref<136xi32, #tpu.memory_space<vmem>>[vector<16xi32>], vector<16xi32>,
    %ge3A_301 = arith.constant 1 : i32
    %ge3A_302 = vector.broadcast %ge3A_301 : i32 to vector<16xi32>
    %ge3A_303 = arith.cmpi sge, %add3A_273, %ge3A_302 : vector<16xi32>
    %le3A_304 = arith.cmpi sle, %add3A_273, %gather3A_119 : vector<16xi32>
    %and3A_305 = arith.andi %ge3A_303, %le3A_304 : vector<16xi1>
    %add3A_306 = arith.constant 2 : i32
    %add3A_307 = vector.broadcast %add3A_306 : i32 to vector<16xi32>
    %add3A_308 = arith.addi %gather3A_119, %add3A_307 : vector<16xi32>
    %ge3A_309 = arith.cmpi sge, %add3A_273, %add3A_308 : vector<16xi32>
    %le3A_310 = arith.cmpi sle, %add3A_273, %add3A_133 : vector<16xi32>
    %and3A_311 = arith.andi %ge3A_309, %le3A_310 : vector<16xi1>
    %add3A_312 = arith.constant 1 : i32
    %add3A_313 = vector.broadcast %add3A_312 : i32 to vector<16xi32>
    %add3A_314 = arith.addi %gather3A_119, %add3A_313 : vector<16xi32>
    %eq3A_315 = arith.cmpi eq, %add3A_273, %add3A_314 : vector<16xi32>
    %eq3A_316 = arith.cmpi eq, %add3A_273, %add3A_133 : vector<16xi32>
    %or3A_317 = arith.ori %eq3A_315, %eq3A_316 : vector<16xi1>
    %eq3A_318 = arith.constant 0 : i32
    %eq3A_319 = vector.broadcast %eq3A_318 : i32 to vector<16xi32>
    %eq3A_320 = arith.cmpi eq, %add3A_273, %eq3A_319 : vector<16xi32>
    %jit3A_321 = arith.constant 101 : i32
    %jit3A_322 = arith.constant 0 : i32
    %broadcast_in_dim3A_323 = vector.broadcast %jit3A_321 : i32 to vector<16xi32>
    %broadcast_in_dim3A_324 = vector.broadcast %jit3A_322 : i32 to vector<16xi32>
    %select_n3A_325 = arith.select %eq3A_320, %broadcast_in_dim3A_323, %broadcast_in_dim3A_324 : vector<16xi1>, vector<16xi32>
    %select_n3A_326 = arith.select %and3A_305, %gather3A_299, %select_n3A_325 : vector<16xi1>, vector<16xi32>
    %select_n3A_327 = arith.select %and3A_311, %gather3A_300, %select_n3A_326 : vector<16xi1>, vector<16xi32>
    %jit3A_328 = arith.constant 102 : i32
    %broadcast_in_dim3A_329 = vector.broadcast %jit3A_328 : i32 to vector<16xi32>
    %select_n3A_330 = arith.select %or3A_317, %broadcast_in_dim3A_329, %select_n3A_327 : vector<16xi1>, vector<16xi32>
    %swap3A_331 = arith.constant 32 : index
    %swap3A_332 = tpu.vector_load %arg13[%swap3A_331] {strides = array<i32>} : memref<128xi32, #tpu.memory_space<vmem>>, vector<16xi32>,
    tpu.vector_store %arg13[%swap3A_331], %select_n3A_330 {strides = array<i32>} : memref<128xi32, #tpu.memory_space<vmem>>, vector<16xi32>,
    %le3A_333 = arith.cmpi sle, %add3A_273, %add3A_133 : vector<16xi32>
    %convert_element_type3A_334 = arith.extui %le3A_333 : vector<16xi1> to vector<16xi32>
    %swap3A_335 = arith.constant 32 : index
    %swap3A_336 = tpu.vector_load %arg14[%swap3A_335] {strides = array<i32>} : memref<128xi32, #tpu.memory_space<vmem>>, vector<16xi32>,
    tpu.vector_store %arg14[%swap3A_335], %convert_element_type3A_334 {strides = array<i32>} : memref<128xi32, #tpu.memory_space<vmem>>, vector<16xi32>,
    %convert_element_type3A_337 = arith.extui %and3A_311 : vector<16xi1> to vector<16xi32>
    %swap3A_338 = arith.constant 32 : index
    %swap3A_339 = tpu.vector_load %arg15[%swap3A_338] {strides = array<i32>} : memref<128xi32, #tpu.memory_space<vmem>>, vector<16xi32>,
    tpu.vector_store %arg15[%swap3A_338], %convert_element_type3A_337 {strides = array<i32>} : memref<128xi32, #tpu.memory_space<vmem>>, vector<16xi32>,
    %add3A_340 = arith.constant 48 : i32
    %add3A_341 = vector.broadcast %add3A_340 : i32 to vector<16xi32>
    %add3A_342 = arith.addi %add3A_341, %iota3A : vector<16xi32>
    %add3A_343 = arith.addi %gather3A_57, %add3A_342 : vector<16xi32>
    %sub3A_344 = arith.constant 1 : i32
    %sub3A_345 = vector.broadcast %sub3A_344 : i32 to vector<16xi32>
    %sub3A_346 = arith.subi %add3A_343, %sub3A_345 : vector<16xi32>
    %sub3A_347 = vector.broadcast %multiple_of3A : i32 to vector<16xi32>
    %sub3A_348 = arith.subi %sub3A_346, %sub3A_347 : vector<16xi32>
    %jit3A_349 = arith.constant 0 : i32
    %jit3A_350 = arith.constant 135 : i32
    %max3A_351 = vector.broadcast %jit3A_349 : i32 to vector<16xi32>
    %max3A_352 = arith.maxsi %max3A_351, %sub3A_348 : vector<16xi32>
    %min3A_353 = vector.broadcast %jit3A_350 : i32 to vector<16xi32>
    %min3A_354 = arith.minsi %min3A_353, %max3A_352 : vector<16xi32>
    %sub3A_355 = arith.subi %add3A_342, %gather3A_119 : vector<16xi32>
    %sub3A_356 = arith.constant 2 : i32
    %sub3A_357 = vector.broadcast %sub3A_356 : i32 to vector<16xi32>
    %sub3A_358 = arith.subi %sub3A_355, %sub3A_357 : vector<16xi32>
    %add3A_359 = arith.addi %gather3A_67, %sub3A_358 : vector<16xi32>
    %sub3A_360 = vector.broadcast %multiple_of3A_94 : i32 to vector<16xi32>
    %sub3A_361 = arith.subi %add3A_359, %sub3A_360 : vector<16xi32>
    %jit3A_362 = arith.constant 0 : i32
    %jit3A_363 = arith.constant 135 : i32
    %max3A_364 = vector.broadcast %jit3A_362 : i32 to vector<16xi32>
    %max3A_365 = arith.maxsi %max3A_364, %sub3A_361 : vector<16xi32>
    %min3A_366 = vector.broadcast %jit3A_363 : i32 to vector<16xi32>
    %min3A_367 = arith.minsi %min3A_366, %max3A_365 : vector<16xi32>
    %gather3A_368 = tpu.vector_load_idx %arg9[%min3A_354] : memref<136xi32, #tpu.memory_space<vmem>>[vector<16xi32>], vector<16xi32>,
    %gather3A_369 = tpu.vector_load_idx %arg10[%min3A_367] : memref<136xi32, #tpu.memory_space<vmem>>[vector<16xi32>], vector<16xi32>,
    %ge3A_370 = arith.constant 1 : i32
    %ge3A_371 = vector.broadcast %ge3A_370 : i32 to vector<16xi32>
    %ge3A_372 = arith.cmpi sge, %add3A_342, %ge3A_371 : vector<16xi32>
    %le3A_373 = arith.cmpi sle, %add3A_342, %gather3A_119 : vector<16xi32>
    %and3A_374 = arith.andi %ge3A_372, %le3A_373 : vector<16xi1>
    %add3A_375 = arith.constant 2 : i32
    %add3A_376 = vector.broadcast %add3A_375 : i32 to vector<16xi32>
    %add3A_377 = arith.addi %gather3A_119, %add3A_376 : vector<16xi32>
    %ge3A_378 = arith.cmpi sge, %add3A_342, %add3A_377 : vector<16xi32>
    %le3A_379 = arith.cmpi sle, %add3A_342, %add3A_133 : vector<16xi32>
    %and3A_380 = arith.andi %ge3A_378, %le3A_379 : vector<16xi1>
    %add3A_381 = arith.constant 1 : i32
    %add3A_382 = vector.broadcast %add3A_381 : i32 to vector<16xi32>
    %add3A_383 = arith.addi %gather3A_119, %add3A_382 : vector<16xi32>
    %eq3A_384 = arith.cmpi eq, %add3A_342, %add3A_383 : vector<16xi32>
    %eq3A_385 = arith.cmpi eq, %add3A_342, %add3A_133 : vector<16xi32>
    %or3A_386 = arith.ori %eq3A_384, %eq3A_385 : vector<16xi1>
    %eq3A_387 = arith.constant 0 : i32
    %eq3A_388 = vector.broadcast %eq3A_387 : i32 to vector<16xi32>
    %eq3A_389 = arith.cmpi eq, %add3A_342, %eq3A_388 : vector<16xi32>
    %jit3A_390 = arith.constant 101 : i32
    %jit3A_391 = arith.constant 0 : i32
    %broadcast_in_dim3A_392 = vector.broadcast %jit3A_390 : i32 to vector<16xi32>
    %broadcast_in_dim3A_393 = vector.broadcast %jit3A_391 : i32 to vector<16xi32>
    %select_n3A_394 = arith.select %eq3A_389, %broadcast_in_dim3A_392, %broadcast_in_dim3A_393 : vector<16xi1>, vector<16xi32>
    %select_n3A_395 = arith.select %and3A_374, %gather3A_368, %select_n3A_394 : vector<16xi1>, vector<16xi32>
    %select_n3A_396 = arith.select %and3A_380, %gather3A_369, %select_n3A_395 : vector<16xi1>, vector<16xi32>
    %jit3A_397 = arith.constant 102 : i32
    %broadcast_in_dim3A_398 = vector.broadcast %jit3A_397 : i32 to vector<16xi32>
    %select_n3A_399 = arith.select %or3A_386, %broadcast_in_dim3A_398, %select_n3A_396 : vector<16xi1>, vector<16xi32>
    %swap3A_400 = arith.constant 48 : index
    %swap3A_401 = tpu.vector_load %arg13[%swap3A_400] {strides = array<i32>} : memref<128xi32, #tpu.memory_space<vmem>>, vector<16xi32>,
    tpu.vector_store %arg13[%swap3A_400], %select_n3A_399 {strides = array<i32>} : memref<128xi32, #tpu.memory_space<vmem>>, vector<16xi32>,
    %le3A_402 = arith.cmpi sle, %add3A_342, %add3A_133 : vector<16xi32>
    %convert_element_type3A_403 = arith.extui %le3A_402 : vector<16xi1> to vector<16xi32>
    %swap3A_404 = arith.constant 48 : index
    %swap3A_405 = tpu.vector_load %arg14[%swap3A_404] {strides = array<i32>} : memref<128xi32, #tpu.memory_space<vmem>>, vector<16xi32>,
    tpu.vector_store %arg14[%swap3A_404], %convert_element_type3A_403 {strides = array<i32>} : memref<128xi32, #tpu.memory_space<vmem>>, vector<16xi32>,
    %convert_element_type3A_406 = arith.extui %and3A_380 : vector<16xi1> to vector<16xi32>
    %swap3A_407 = arith.constant 48 : index
    %swap3A_408 = tpu.vector_load %arg15[%swap3A_407] {strides = array<i32>} : memref<128xi32, #tpu.memory_space<vmem>>, vector<16xi32>,
    tpu.vector_store %arg15[%swap3A_407], %convert_element_type3A_406 {strides = array<i32>} : memref<128xi32, #tpu.memory_space<vmem>>, vector<16xi32>,
    %add3A_409 = arith.constant 64 : i32
    %add3A_410 = vector.broadcast %add3A_409 : i32 to vector<16xi32>
    %add3A_411 = arith.addi %add3A_410, %iota3A : vector<16xi32>
    %add3A_412 = arith.addi %gather3A_57, %add3A_411 : vector<16xi32>
    %sub3A_413 = arith.constant 1 : i32
    %sub3A_414 = vector.broadcast %sub3A_413 : i32 to vector<16xi32>
    %sub3A_415 = arith.subi %add3A_412, %sub3A_414 : vector<16xi32>
    %sub3A_416 = vector.broadcast %multiple_of3A : i32 to vector<16xi32>
    %sub3A_417 = arith.subi %sub3A_415, %sub3A_416 : vector<16xi32>
    %jit3A_418 = arith.constant 0 : i32
    %jit3A_419 = arith.constant 135 : i32
    %max3A_420 = vector.broadcast %jit3A_418 : i32 to vector<16xi32>
    %max3A_421 = arith.maxsi %max3A_420, %sub3A_417 : vector<16xi32>
    %min3A_422 = vector.broadcast %jit3A_419 : i32 to vector<16xi32>
    %min3A_423 = arith.minsi %min3A_422, %max3A_421 : vector<16xi32>
    %sub3A_424 = arith.subi %add3A_411, %gather3A_119 : vector<16xi32>
    %sub3A_425 = arith.constant 2 : i32
    %sub3A_426 = vector.broadcast %sub3A_425 : i32 to vector<16xi32>
    %sub3A_427 = arith.subi %sub3A_424, %sub3A_426 : vector<16xi32>
    %add3A_428 = arith.addi %gather3A_67, %sub3A_427 : vector<16xi32>
    %sub3A_429 = vector.broadcast %multiple_of3A_94 : i32 to vector<16xi32>
    %sub3A_430 = arith.subi %add3A_428, %sub3A_429 : vector<16xi32>
    %jit3A_431 = arith.constant 0 : i32
    %jit3A_432 = arith.constant 135 : i32
    %max3A_433 = vector.broadcast %jit3A_431 : i32 to vector<16xi32>
    %max3A_434 = arith.maxsi %max3A_433, %sub3A_430 : vector<16xi32>
    %min3A_435 = vector.broadcast %jit3A_432 : i32 to vector<16xi32>
    %min3A_436 = arith.minsi %min3A_435, %max3A_434 : vector<16xi32>
    %gather3A_437 = tpu.vector_load_idx %arg9[%min3A_423] : memref<136xi32, #tpu.memory_space<vmem>>[vector<16xi32>], vector<16xi32>,
    %gather3A_438 = tpu.vector_load_idx %arg10[%min3A_436] : memref<136xi32, #tpu.memory_space<vmem>>[vector<16xi32>], vector<16xi32>,
    %ge3A_439 = arith.constant 1 : i32
    %ge3A_440 = vector.broadcast %ge3A_439 : i32 to vector<16xi32>
    %ge3A_441 = arith.cmpi sge, %add3A_411, %ge3A_440 : vector<16xi32>
    %le3A_442 = arith.cmpi sle, %add3A_411, %gather3A_119 : vector<16xi32>
    %and3A_443 = arith.andi %ge3A_441, %le3A_442 : vector<16xi1>
    %add3A_444 = arith.constant 2 : i32
    %add3A_445 = vector.broadcast %add3A_444 : i32 to vector<16xi32>
    %add3A_446 = arith.addi %gather3A_119, %add3A_445 : vector<16xi32>
    %ge3A_447 = arith.cmpi sge, %add3A_411, %add3A_446 : vector<16xi32>
    %le3A_448 = arith.cmpi sle, %add3A_411, %add3A_133 : vector<16xi32>
    %and3A_449 = arith.andi %ge3A_447, %le3A_448 : vector<16xi1>
    %add3A_450 = arith.constant 1 : i32
    %add3A_451 = vector.broadcast %add3A_450 : i32 to vector<16xi32>
    %add3A_452 = arith.addi %gather3A_119, %add3A_451 : vector<16xi32>
    %eq3A_453 = arith.cmpi eq, %add3A_411, %add3A_452 : vector<16xi32>
    %eq3A_454 = arith.cmpi eq, %add3A_411, %add3A_133 : vector<16xi32>
    %or3A_455 = arith.ori %eq3A_453, %eq3A_454 : vector<16xi1>
    %eq3A_456 = arith.constant 0 : i32
    %eq3A_457 = vector.broadcast %eq3A_456 : i32 to vector<16xi32>
    %eq3A_458 = arith.cmpi eq, %add3A_411, %eq3A_457 : vector<16xi32>
    %jit3A_459 = arith.constant 101 : i32
    %jit3A_460 = arith.constant 0 : i32
    %broadcast_in_dim3A_461 = vector.broadcast %jit3A_459 : i32 to vector<16xi32>
    %broadcast_in_dim3A_462 = vector.broadcast %jit3A_460 : i32 to vector<16xi32>
    %select_n3A_463 = arith.select %eq3A_458, %broadcast_in_dim3A_461, %broadcast_in_dim3A_462 : vector<16xi1>, vector<16xi32>
    %select_n3A_464 = arith.select %and3A_443, %gather3A_437, %select_n3A_463 : vector<16xi1>, vector<16xi32>
    %select_n3A_465 = arith.select %and3A_449, %gather3A_438, %select_n3A_464 : vector<16xi1>, vector<16xi32>
    %jit3A_466 = arith.constant 102 : i32
    %broadcast_in_dim3A_467 = vector.broadcast %jit3A_466 : i32 to vector<16xi32>
    %select_n3A_468 = arith.select %or3A_455, %broadcast_in_dim3A_467, %select_n3A_465 : vector<16xi1>, vector<16xi32>
    %swap3A_469 = arith.constant 64 : index
    %swap3A_470 = tpu.vector_load %arg13[%swap3A_469] {strides = array<i32>} : memref<128xi32, #tpu.memory_space<vmem>>, vector<16xi32>,
    tpu.vector_store %arg13[%swap3A_469], %select_n3A_468 {strides = array<i32>} : memref<128xi32, #tpu.memory_space<vmem>>, vector<16xi32>,
    %le3A_471 = arith.cmpi sle, %add3A_411, %add3A_133 : vector<16xi32>
    %convert_element_type3A_472 = arith.extui %le3A_471 : vector<16xi1> to vector<16xi32>
    %swap3A_473 = arith.constant 64 : index
    %swap3A_474 = tpu.vector_load %arg14[%swap3A_473] {strides = array<i32>} : memref<128xi32, #tpu.memory_space<vmem>>, vector<16xi32>,
    tpu.vector_store %arg14[%swap3A_473], %convert_element_type3A_472 {strides = array<i32>} : memref<128xi32, #tpu.memory_space<vmem>>, vector<16xi32>,
    %convert_element_type3A_475 = arith.extui %and3A_449 : vector<16xi1> to vector<16xi32>
    %swap3A_476 = arith.constant 64 : index
    %swap3A_477 = tpu.vector_load %arg15[%swap3A_476] {strides = array<i32>} : memref<128xi32, #tpu.memory_space<vmem>>, vector<16xi32>,
    tpu.vector_store %arg15[%swap3A_476], %convert_element_type3A_475 {strides = array<i32>} : memref<128xi32, #tpu.memory_space<vmem>>, vector<16xi32>,
    %add3A_478 = arith.constant 80 : i32
    %add3A_479 = vector.broadcast %add3A_478 : i32 to vector<16xi32>
    %add3A_480 = arith.addi %add3A_479, %iota3A : vector<16xi32>
    %add3A_481 = arith.addi %gather3A_57, %add3A_480 : vector<16xi32>
    %sub3A_482 = arith.constant 1 : i32
    %sub3A_483 = vector.broadcast %sub3A_482 : i32 to vector<16xi32>
    %sub3A_484 = arith.subi %add3A_481, %sub3A_483 : vector<16xi32>
    %sub3A_485 = vector.broadcast %multiple_of3A : i32 to vector<16xi32>
    %sub3A_486 = arith.subi %sub3A_484, %sub3A_485 : vector<16xi32>
    %jit3A_487 = arith.constant 0 : i32
    %jit3A_488 = arith.constant 135 : i32
    %max3A_489 = vector.broadcast %jit3A_487 : i32 to vector<16xi32>
    %max3A_490 = arith.maxsi %max3A_489, %sub3A_486 : vector<16xi32>
    %min3A_491 = vector.broadcast %jit3A_488 : i32 to vector<16xi32>
    %min3A_492 = arith.minsi %min3A_491, %max3A_490 : vector<16xi32>
    %sub3A_493 = arith.subi %add3A_480, %gather3A_119 : vector<16xi32>
    %sub3A_494 = arith.constant 2 : i32
    %sub3A_495 = vector.broadcast %sub3A_494 : i32 to vector<16xi32>
    %sub3A_496 = arith.subi %sub3A_493, %sub3A_495 : vector<16xi32>
    %add3A_497 = arith.addi %gather3A_67, %sub3A_496 : vector<16xi32>
    %sub3A_498 = vector.broadcast %multiple_of3A_94 : i32 to vector<16xi32>
    %sub3A_499 = arith.subi %add3A_497, %sub3A_498 : vector<16xi32>
    %jit3A_500 = arith.constant 0 : i32
    %jit3A_501 = arith.constant 135 : i32
    %max3A_502 = vector.broadcast %jit3A_500 : i32 to vector<16xi32>
    %max3A_503 = arith.maxsi %max3A_502, %sub3A_499 : vector<16xi32>
    %min3A_504 = vector.broadcast %jit3A_501 : i32 to vector<16xi32>
    %min3A_505 = arith.minsi %min3A_504, %max3A_503 : vector<16xi32>
    %gather3A_506 = tpu.vector_load_idx %arg9[%min3A_492] : memref<136xi32, #tpu.memory_space<vmem>>[vector<16xi32>], vector<16xi32>,
    %gather3A_507 = tpu.vector_load_idx %arg10[%min3A_505] : memref<136xi32, #tpu.memory_space<vmem>>[vector<16xi32>], vector<16xi32>,
    %ge3A_508 = arith.constant 1 : i32
    %ge3A_509 = vector.broadcast %ge3A_508 : i32 to vector<16xi32>
    %ge3A_510 = arith.cmpi sge, %add3A_480, %ge3A_509 : vector<16xi32>
    %le3A_511 = arith.cmpi sle, %add3A_480, %gather3A_119 : vector<16xi32>
    %and3A_512 = arith.andi %ge3A_510, %le3A_511 : vector<16xi1>
    %add3A_513 = arith.constant 2 : i32
    %add3A_514 = vector.broadcast %add3A_513 : i32 to vector<16xi32>
    %add3A_515 = arith.addi %gather3A_119, %add3A_514 : vector<16xi32>
    %ge3A_516 = arith.cmpi sge, %add3A_480, %add3A_515 : vector<16xi32>
    %le3A_517 = arith.cmpi sle, %add3A_480, %add3A_133 : vector<16xi32>
    %and3A_518 = arith.andi %ge3A_516, %le3A_517 : vector<16xi1>
    %add3A_519 = arith.constant 1 : i32
    %add3A_520 = vector.broadcast %add3A_519 : i32 to vector<16xi32>
    %add3A_521 = arith.addi %gather3A_119, %add3A_520 : vector<16xi32>
    %eq3A_522 = arith.cmpi eq, %add3A_480, %add3A_521 : vector<16xi32>
    %eq3A_523 = arith.cmpi eq, %add3A_480, %add3A_133 : vector<16xi32>
    %or3A_524 = arith.ori %eq3A_522, %eq3A_523 : vector<16xi1>
    %eq3A_525 = arith.constant 0 : i32
    %eq3A_526 = vector.broadcast %eq3A_525 : i32 to vector<16xi32>
    %eq3A_527 = arith.cmpi eq, %add3A_480, %eq3A_526 : vector<16xi32>
    %jit3A_528 = arith.constant 101 : i32
    %jit3A_529 = arith.constant 0 : i32
    %broadcast_in_dim3A_530 = vector.broadcast %jit3A_528 : i32 to vector<16xi32>
    %broadcast_in_dim3A_531 = vector.broadcast %jit3A_529 : i32 to vector<16xi32>
    %select_n3A_532 = arith.select %eq3A_527, %broadcast_in_dim3A_530, %broadcast_in_dim3A_531 : vector<16xi1>, vector<16xi32>
    %select_n3A_533 = arith.select %and3A_512, %gather3A_506, %select_n3A_532 : vector<16xi1>, vector<16xi32>
    %select_n3A_534 = arith.select %and3A_518, %gather3A_507, %select_n3A_533 : vector<16xi1>, vector<16xi32>
    %jit3A_535 = arith.constant 102 : i32
    %broadcast_in_dim3A_536 = vector.broadcast %jit3A_535 : i32 to vector<16xi32>
    %select_n3A_537 = arith.select %or3A_524, %broadcast_in_dim3A_536, %select_n3A_534 : vector<16xi1>, vector<16xi32>
    %swap3A_538 = arith.constant 80 : index
    %swap3A_539 = tpu.vector_load %arg13[%swap3A_538] {strides = array<i32>} : memref<128xi32, #tpu.memory_space<vmem>>, vector<16xi32>,
    tpu.vector_store %arg13[%swap3A_538], %select_n3A_537 {strides = array<i32>} : memref<128xi32, #tpu.memory_space<vmem>>, vector<16xi32>,
    %le3A_540 = arith.cmpi sle, %add3A_480, %add3A_133 : vector<16xi32>
    %convert_element_type3A_541 = arith.extui %le3A_540 : vector<16xi1> to vector<16xi32>
    %swap3A_542 = arith.constant 80 : index
    %swap3A_543 = tpu.vector_load %arg14[%swap3A_542] {strides = array<i32>} : memref<128xi32, #tpu.memory_space<vmem>>, vector<16xi32>,
    tpu.vector_store %arg14[%swap3A_542], %convert_element_type3A_541 {strides = array<i32>} : memref<128xi32, #tpu.memory_space<vmem>>, vector<16xi32>,
    %convert_element_type3A_544 = arith.extui %and3A_518 : vector<16xi1> to vector<16xi32>
    %swap3A_545 = arith.constant 80 : index
    %swap3A_546 = tpu.vector_load %arg15[%swap3A_545] {strides = array<i32>} : memref<128xi32, #tpu.memory_space<vmem>>, vector<16xi32>,
    tpu.vector_store %arg15[%swap3A_545], %convert_element_type3A_544 {strides = array<i32>} : memref<128xi32, #tpu.memory_space<vmem>>, vector<16xi32>,
    %add3A_547 = arith.constant 96 : i32
    %add3A_548 = vector.broadcast %add3A_547 : i32 to vector<16xi32>
    %add3A_549 = arith.addi %add3A_548, %iota3A : vector<16xi32>
    %add3A_550 = arith.addi %gather3A_57, %add3A_549 : vector<16xi32>
    %sub3A_551 = arith.constant 1 : i32
    %sub3A_552 = vector.broadcast %sub3A_551 : i32 to vector<16xi32>
    %sub3A_553 = arith.subi %add3A_550, %sub3A_552 : vector<16xi32>
    %sub3A_554 = vector.broadcast %multiple_of3A : i32 to vector<16xi32>
    %sub3A_555 = arith.subi %sub3A_553, %sub3A_554 : vector<16xi32>
    %jit3A_556 = arith.constant 0 : i32
    %jit3A_557 = arith.constant 135 : i32
    %max3A_558 = vector.broadcast %jit3A_556 : i32 to vector<16xi32>
    %max3A_559 = arith.maxsi %max3A_558, %sub3A_555 : vector<16xi32>
    %min3A_560 = vector.broadcast %jit3A_557 : i32 to vector<16xi32>
    %min3A_561 = arith.minsi %min3A_560, %max3A_559 : vector<16xi32>
    %sub3A_562 = arith.subi %add3A_549, %gather3A_119 : vector<16xi32>
    %sub3A_563 = arith.constant 2 : i32
    %sub3A_564 = vector.broadcast %sub3A_563 : i32 to vector<16xi32>
    %sub3A_565 = arith.subi %sub3A_562, %sub3A_564 : vector<16xi32>
    %add3A_566 = arith.addi %gather3A_67, %sub3A_565 : vector<16xi32>
    %sub3A_567 = vector.broadcast %multiple_of3A_94 : i32 to vector<16xi32>
    %sub3A_568 = arith.subi %add3A_566, %sub3A_567 : vector<16xi32>
    %jit3A_569 = arith.constant 0 : i32
    %jit3A_570 = arith.constant 135 : i32
    %max3A_571 = vector.broadcast %jit3A_569 : i32 to vector<16xi32>
    %max3A_572 = arith.maxsi %max3A_571, %sub3A_568 : vector<16xi32>
    %min3A_573 = vector.broadcast %jit3A_570 : i32 to vector<16xi32>
    %min3A_574 = arith.minsi %min3A_573, %max3A_572 : vector<16xi32>
    %gather3A_575 = tpu.vector_load_idx %arg9[%min3A_561] : memref<136xi32, #tpu.memory_space<vmem>>[vector<16xi32>], vector<16xi32>,
    %gather3A_576 = tpu.vector_load_idx %arg10[%min3A_574] : memref<136xi32, #tpu.memory_space<vmem>>[vector<16xi32>], vector<16xi32>,
    %ge3A_577 = arith.constant 1 : i32
    %ge3A_578 = vector.broadcast %ge3A_577 : i32 to vector<16xi32>
    %ge3A_579 = arith.cmpi sge, %add3A_549, %ge3A_578 : vector<16xi32>
    %le3A_580 = arith.cmpi sle, %add3A_549, %gather3A_119 : vector<16xi32>
    %and3A_581 = arith.andi %ge3A_579, %le3A_580 : vector<16xi1>
    %add3A_582 = arith.constant 2 : i32
    %add3A_583 = vector.broadcast %add3A_582 : i32 to vector<16xi32>
    %add3A_584 = arith.addi %gather3A_119, %add3A_583 : vector<16xi32>
    %ge3A_585 = arith.cmpi sge, %add3A_549, %add3A_584 : vector<16xi32>
    %le3A_586 = arith.cmpi sle, %add3A_549, %add3A_133 : vector<16xi32>
    %and3A_587 = arith.andi %ge3A_585, %le3A_586 : vector<16xi1>
    %add3A_588 = arith.constant 1 : i32
    %add3A_589 = vector.broadcast %add3A_588 : i32 to vector<16xi32>
    %add3A_590 = arith.addi %gather3A_119, %add3A_589 : vector<16xi32>
    %eq3A_591 = arith.cmpi eq, %add3A_549, %add3A_590 : vector<16xi32>
    %eq3A_592 = arith.cmpi eq, %add3A_549, %add3A_133 : vector<16xi32>
    %or3A_593 = arith.ori %eq3A_591, %eq3A_592 : vector<16xi1>
    %eq3A_594 = arith.constant 0 : i32
    %eq3A_595 = vector.broadcast %eq3A_594 : i32 to vector<16xi32>
    %eq3A_596 = arith.cmpi eq, %add3A_549, %eq3A_595 : vector<16xi32>
    %jit3A_597 = arith.constant 101 : i32
    %jit3A_598 = arith.constant 0 : i32
    %broadcast_in_dim3A_599 = vector.broadcast %jit3A_597 : i32 to vector<16xi32>
    %broadcast_in_dim3A_600 = vector.broadcast %jit3A_598 : i32 to vector<16xi32>
    %select_n3A_601 = arith.select %eq3A_596, %broadcast_in_dim3A_599, %broadcast_in_dim3A_600 : vector<16xi1>, vector<16xi32>
    %select_n3A_602 = arith.select %and3A_581, %gather3A_575, %select_n3A_601 : vector<16xi1>, vector<16xi32>
    %select_n3A_603 = arith.select %and3A_587, %gather3A_576, %select_n3A_602 : vector<16xi1>, vector<16xi32>
    %jit3A_604 = arith.constant 102 : i32
    %broadcast_in_dim3A_605 = vector.broadcast %jit3A_604 : i32 to vector<16xi32>
    %select_n3A_606 = arith.select %or3A_593, %broadcast_in_dim3A_605, %select_n3A_603 : vector<16xi1>, vector<16xi32>
    %swap3A_607 = arith.constant 96 : index
    %swap3A_608 = tpu.vector_load %arg13[%swap3A_607] {strides = array<i32>} : memref<128xi32, #tpu.memory_space<vmem>>, vector<16xi32>,
    tpu.vector_store %arg13[%swap3A_607], %select_n3A_606 {strides = array<i32>} : memref<128xi32, #tpu.memory_space<vmem>>, vector<16xi32>,
    %le3A_609 = arith.cmpi sle, %add3A_549, %add3A_133 : vector<16xi32>
    %convert_element_type3A_610 = arith.extui %le3A_609 : vector<16xi1> to vector<16xi32>
    %swap3A_611 = arith.constant 96 : index
    %swap3A_612 = tpu.vector_load %arg14[%swap3A_611] {strides = array<i32>} : memref<128xi32, #tpu.memory_space<vmem>>, vector<16xi32>,
    tpu.vector_store %arg14[%swap3A_611], %convert_element_type3A_610 {strides = array<i32>} : memref<128xi32, #tpu.memory_space<vmem>>, vector<16xi32>,
    %convert_element_type3A_613 = arith.extui %and3A_587 : vector<16xi1> to vector<16xi32>
    %swap3A_614 = arith.constant 96 : index
    %swap3A_615 = tpu.vector_load %arg15[%swap3A_614] {strides = array<i32>} : memref<128xi32, #tpu.memory_space<vmem>>, vector<16xi32>,
    tpu.vector_store %arg15[%swap3A_614], %convert_element_type3A_613 {strides = array<i32>} : memref<128xi32, #tpu.memory_space<vmem>>, vector<16xi32>,
    %add3A_616 = arith.constant 112 : i32
    %add3A_617 = vector.broadcast %add3A_616 : i32 to vector<16xi32>
    %add3A_618 = arith.addi %add3A_617, %iota3A : vector<16xi32>
    %add3A_619 = arith.addi %gather3A_57, %add3A_618 : vector<16xi32>
    %sub3A_620 = arith.constant 1 : i32
    %sub3A_621 = vector.broadcast %sub3A_620 : i32 to vector<16xi32>
    %sub3A_622 = arith.subi %add3A_619, %sub3A_621 : vector<16xi32>
    %sub3A_623 = vector.broadcast %multiple_of3A : i32 to vector<16xi32>
    %sub3A_624 = arith.subi %sub3A_622, %sub3A_623 : vector<16xi32>
    %jit3A_625 = arith.constant 0 : i32
    %jit3A_626 = arith.constant 135 : i32
    %max3A_627 = vector.broadcast %jit3A_625 : i32 to vector<16xi32>
    %max3A_628 = arith.maxsi %max3A_627, %sub3A_624 : vector<16xi32>
    %min3A_629 = vector.broadcast %jit3A_626 : i32 to vector<16xi32>
    %min3A_630 = arith.minsi %min3A_629, %max3A_628 : vector<16xi32>
    %sub3A_631 = arith.subi %add3A_618, %gather3A_119 : vector<16xi32>
    %sub3A_632 = arith.constant 2 : i32
    %sub3A_633 = vector.broadcast %sub3A_632 : i32 to vector<16xi32>
    %sub3A_634 = arith.subi %sub3A_631, %sub3A_633 : vector<16xi32>
    %add3A_635 = arith.addi %gather3A_67, %sub3A_634 : vector<16xi32>
    %sub3A_636 = vector.broadcast %multiple_of3A_94 : i32 to vector<16xi32>
    %sub3A_637 = arith.subi %add3A_635, %sub3A_636 : vector<16xi32>
    %jit3A_638 = arith.constant 0 : i32
    %jit3A_639 = arith.constant 135 : i32
    %max3A_640 = vector.broadcast %jit3A_638 : i32 to vector<16xi32>
    %max3A_641 = arith.maxsi %max3A_640, %sub3A_637 : vector<16xi32>
    %min3A_642 = vector.broadcast %jit3A_639 : i32 to vector<16xi32>
    %min3A_643 = arith.minsi %min3A_642, %max3A_641 : vector<16xi32>
    %gather3A_644 = tpu.vector_load_idx %arg9[%min3A_630] : memref<136xi32, #tpu.memory_space<vmem>>[vector<16xi32>], vector<16xi32>,
    %gather3A_645 = tpu.vector_load_idx %arg10[%min3A_643] : memref<136xi32, #tpu.memory_space<vmem>>[vector<16xi32>], vector<16xi32>,
    %ge3A_646 = arith.constant 1 : i32
    %ge3A_647 = vector.broadcast %ge3A_646 : i32 to vector<16xi32>
    %ge3A_648 = arith.cmpi sge, %add3A_618, %ge3A_647 : vector<16xi32>
    %le3A_649 = arith.cmpi sle, %add3A_618, %gather3A_119 : vector<16xi32>
    %and3A_650 = arith.andi %ge3A_648, %le3A_649 : vector<16xi1>
    %add3A_651 = arith.constant 2 : i32
    %add3A_652 = vector.broadcast %add3A_651 : i32 to vector<16xi32>
    %add3A_653 = arith.addi %gather3A_119, %add3A_652 : vector<16xi32>
    %ge3A_654 = arith.cmpi sge, %add3A_618, %add3A_653 : vector<16xi32>
    %le3A_655 = arith.cmpi sle, %add3A_618, %add3A_133 : vector<16xi32>
    %and3A_656 = arith.andi %ge3A_654, %le3A_655 : vector<16xi1>
    %add3A_657 = arith.constant 1 : i32
    %add3A_658 = vector.broadcast %add3A_657 : i32 to vector<16xi32>
    %add3A_659 = arith.addi %gather3A_119, %add3A_658 : vector<16xi32>
    %eq3A_660 = arith.cmpi eq, %add3A_618, %add3A_659 : vector<16xi32>
    %eq3A_661 = arith.cmpi eq, %add3A_618, %add3A_133 : vector<16xi32>
    %or3A_662 = arith.ori %eq3A_660, %eq3A_661 : vector<16xi1>
    %eq3A_663 = arith.constant 0 : i32
    %eq3A_664 = vector.broadcast %eq3A_663 : i32 to vector<16xi32>
    %eq3A_665 = arith.cmpi eq, %add3A_618, %eq3A_664 : vector<16xi32>
    %jit3A_666 = arith.constant 101 : i32
    %jit3A_667 = arith.constant 0 : i32
    %broadcast_in_dim3A_668 = vector.broadcast %jit3A_666 : i32 to vector<16xi32>
    %broadcast_in_dim3A_669 = vector.broadcast %jit3A_667 : i32 to vector<16xi32>
    %select_n3A_670 = arith.select %eq3A_665, %broadcast_in_dim3A_668, %broadcast_in_dim3A_669 : vector<16xi1>, vector<16xi32>
    %select_n3A_671 = arith.select %and3A_650, %gather3A_644, %select_n3A_670 : vector<16xi1>, vector<16xi32>
    %select_n3A_672 = arith.select %and3A_656, %gather3A_645, %select_n3A_671 : vector<16xi1>, vector<16xi32>
    %jit3A_673 = arith.constant 102 : i32
    %broadcast_in_dim3A_674 = vector.broadcast %jit3A_673 : i32 to vector<16xi32>
    %select_n3A_675 = arith.select %or3A_662, %broadcast_in_dim3A_674, %select_n3A_672 : vector<16xi1>, vector<16xi32>
    %swap3A_676 = arith.constant 112 : index
    %swap3A_677 = tpu.vector_load %arg13[%swap3A_676] {strides = array<i32>} : memref<128xi32, #tpu.memory_space<vmem>>, vector<16xi32>,
    tpu.vector_store %arg13[%swap3A_676], %select_n3A_675 {strides = array<i32>} : memref<128xi32, #tpu.memory_space<vmem>>, vector<16xi32>,
    %le3A_678 = arith.cmpi sle, %add3A_618, %add3A_133 : vector<16xi32>
    %convert_element_type3A_679 = arith.extui %le3A_678 : vector<16xi1> to vector<16xi32>
    %swap3A_680 = arith.constant 112 : index
    %swap3A_681 = tpu.vector_load %arg14[%swap3A_680] {strides = array<i32>} : memref<128xi32, #tpu.memory_space<vmem>>, vector<16xi32>,
    tpu.vector_store %arg14[%swap3A_680], %convert_element_type3A_679 {strides = array<i32>} : memref<128xi32, #tpu.memory_space<vmem>>, vector<16xi32>,
    %convert_element_type3A_682 = arith.extui %and3A_656 : vector<16xi1> to vector<16xi32>
    %swap3A_683 = arith.constant 112 : index
    %swap3A_684 = tpu.vector_load %arg15[%swap3A_683] {strides = array<i32>} : memref<128xi32, #tpu.memory_space<vmem>>, vector<16xi32>,
    tpu.vector_store %arg15[%swap3A_683], %convert_element_type3A_682 {strides = array<i32>} : memref<128xi32, #tpu.memory_space<vmem>>, vector<16xi32>,
    %dma_start3A_685 = arith.constant 0 : i32
    %dma_start3A_686 = tpu.memref_slice %arg6[%arg1, %dma_start3A_685] : memref<16x128xi32, #tpu.memory_space<hbm>> -> memref<1x128xi32, #tpu.memory_space<hbm>>
    %dma_start3A_687 = tpu.memref_squeeze %dma_start3A_686 : memref<1x128xi32, #tpu.memory_space<hbm>> -> memref<128xi32, #tpu.memory_space<hbm>>
    %dma_start3A_688 = arith.constant 0 : i32
    %dma_start3A_689 = tpu.memref_slice %arg6[%arg1, %dma_start3A_688] : memref<16x128xi32, #tpu.memory_space<hbm>> -> memref<1x128xi32, #tpu.memory_space<hbm>>
    %dma_start3A_690 = tpu.memref_squeeze %dma_start3A_689 : memref<1x128xi32, #tpu.memory_space<hbm>> -> memref<128xi32, #tpu.memory_space<hbm>>
    tpu.enqueue_dma source(%arg13 : memref<128xi32, #tpu.memory_space<vmem>>) target(%dma_start3A_690 : memref<128xi32, #tpu.memory_space<hbm>>) target_semaphore(%arg18 : memref<!tpu.dma_semaphore, #tpu.memory_space<semaphore_mem>>)
    %dma_start3A_691 = arith.constant 0 : i32
    %dma_start3A_692 = tpu.memref_slice %arg7[%arg1, %dma_start3A_691] : memref<16x128xi32, #tpu.memory_space<hbm>> -> memref<1x128xi32, #tpu.memory_space<hbm>>
    %dma_start3A_693 = tpu.memref_squeeze %dma_start3A_692 : memref<1x128xi32, #tpu.memory_space<hbm>> -> memref<128xi32, #tpu.memory_space<hbm>>
    %dma_start3A_694 = arith.constant 0 : i32
    %dma_start3A_695 = tpu.memref_slice %arg7[%arg1, %dma_start3A_694] : memref<16x128xi32, #tpu.memory_space<hbm>> -> memref<1x128xi32, #tpu.memory_space<hbm>>
    %dma_start3A_696 = tpu.memref_squeeze %dma_start3A_695 : memref<1x128xi32, #tpu.memory_space<hbm>> -> memref<128xi32, #tpu.memory_space<hbm>>
    tpu.enqueue_dma source(%arg14 : memref<128xi32, #tpu.memory_space<vmem>>) target(%dma_start3A_696 : memref<128xi32, #tpu.memory_space<hbm>>) target_semaphore(%arg18 : memref<!tpu.dma_semaphore, #tpu.memory_space<semaphore_mem>>)
    %dma_start3A_697 = arith.constant 0 : i32
    %dma_start3A_698 = tpu.memref_slice %arg8[%arg1, %dma_start3A_697] : memref<16x128xi32, #tpu.memory_space<hbm>> -> memref<1x128xi32, #tpu.memory_space<hbm>>
    %dma_start3A_699 = tpu.memref_squeeze %dma_start3A_698 : memref<1x128xi32, #tpu.memory_space<hbm>> -> memref<128xi32, #tpu.memory_space<hbm>>
    %dma_start3A_700 = arith.constant 0 : i32
    %dma_start3A_701 = tpu.memref_slice %arg8[%arg1, %dma_start3A_700] : memref<16x128xi32, #tpu.memory_space<hbm>> -> memref<1x128xi32, #tpu.memory_space<hbm>>
    %dma_start3A_702 = tpu.memref_squeeze %dma_start3A_701 : memref<1x128xi32, #tpu.memory_space<hbm>> -> memref<128xi32, #tpu.memory_space<hbm>>
    tpu.enqueue_dma source(%arg15 : memref<128xi32, #tpu.memory_space<vmem>>) target(%dma_start3A_702 : memref<128xi32, #tpu.memory_space<hbm>>) target_semaphore(%arg18 : memref<!tpu.dma_semaphore, #tpu.memory_space<semaphore_mem>>)
    %dma_wait3A_703 = arith.constant 0 : i32
    %dma_wait3A_704 = tpu.memref_slice %arg6[%arg1, %dma_wait3A_703] : memref<16x128xi32, #tpu.memory_space<hbm>> -> memref<1x128xi32, #tpu.memory_space<hbm>>
    %dma_wait3A_705 = tpu.memref_squeeze %dma_wait3A_704 : memref<1x128xi32, #tpu.memory_space<hbm>> -> memref<128xi32, #tpu.memory_space<hbm>>
    %dma_wait3A_706 = arith.constant 0 : i32
    %dma_wait3A_707 = tpu.memref_slice %arg6[%arg1, %dma_wait3A_706] : memref<16x128xi32, #tpu.memory_space<hbm>> -> memref<1x128xi32, #tpu.memory_space<hbm>>
    %dma_wait3A_708 = tpu.memref_squeeze %dma_wait3A_707 : memref<1x128xi32, #tpu.memory_space<hbm>> -> memref<128xi32, #tpu.memory_space<hbm>>
    tpu.wait_dma2 semaphore(%arg18 : memref<!tpu.dma_semaphore, #tpu.memory_space<semaphore_mem>>) src(%arg13 : memref<128xi32, #tpu.memory_space<vmem>>) dst(%dma_wait3A_708 : memref<128xi32, #tpu.memory_space<hbm>>)
    %dma_wait3A_709 = arith.constant 0 : i32
    %dma_wait3A_710 = tpu.memref_slice %arg7[%arg1, %dma_wait3A_709] : memref<16x128xi32, #tpu.memory_space<hbm>> -> memref<1x128xi32, #tpu.memory_space<hbm>>
    %dma_wait3A_711 = tpu.memref_squeeze %dma_wait3A_710 : memref<1x128xi32, #tpu.memory_space<hbm>> -> memref<128xi32, #tpu.memory_space<hbm>>
    %dma_wait3A_712 = arith.constant 0 : i32
    %dma_wait3A_713 = tpu.memref_slice %arg7[%arg1, %dma_wait3A_712] : memref<16x128xi32, #tpu.memory_space<hbm>> -> memref<1x128xi32, #tpu.memory_space<hbm>>
    %dma_wait3A_714 = tpu.memref_squeeze %dma_wait3A_713 : memref<1x128xi32, #tpu.memory_space<hbm>> -> memref<128xi32, #tpu.memory_space<hbm>>
    tpu.wait_dma2 semaphore(%arg18 : memref<!tpu.dma_semaphore, #tpu.memory_space<semaphore_mem>>) src(%arg14 : memref<128xi32, #tpu.memory_space<vmem>>) dst(%dma_wait3A_714 : memref<128xi32, #tpu.memory_space<hbm>>)
    %dma_wait3A_715 = arith.constant 0 : i32
    %dma_wait3A_716 = tpu.memref_slice %arg8[%arg1, %dma_wait3A_715] : memref<16x128xi32, #tpu.memory_space<hbm>> -> memref<1x128xi32, #tpu.memory_space<hbm>>
    %dma_wait3A_717 = tpu.memref_squeeze %dma_wait3A_716 : memref<1x128xi32, #tpu.memory_space<hbm>> -> memref<128xi32, #tpu.memory_space<hbm>>
    %dma_wait3A_718 = arith.constant 0 : i32
    %dma_wait3A_719 = tpu.memref_slice %arg8[%arg1, %dma_wait3A_718] : memref<16x128xi32, #tpu.memory_space<hbm>> -> memref<1x128xi32, #tpu.memory_space<hbm>>
    %dma_wait3A_720 = tpu.memref_squeeze %dma_wait3A_719 : memref<1x128xi32, #tpu.memory_space<hbm>> -> memref<128xi32, #tpu.memory_space<hbm>>
    tpu.wait_dma2 semaphore(%arg18 : memref<!tpu.dma_semaphore, #tpu.memory_space<semaphore_mem>>) src(%arg15 : memref<128xi32, #tpu.memory_space<vmem>>) dst(%dma_wait3A_720 : memref<128xi32, #tpu.memory_space<hbm>>)
    return
  }
}

</mosaic_0001>

<sc_bundles>
// kernel: kernel.3.cloned.1.call-start
scs
__scs_entry_jumppad:
0x0: {  	(pc) =	sbr.rel $0x88, $3  }
0x1: {  	(tag) =	ssettag $0x0;
	lr =	simm.s32 $0x1  }
0x2: {  	[smem:$0x3F9D] =	sst lr;
	_ =	strace $0xD0000000  }
0x3: {  	_ = 	snop  }
0x4: {  	_ = 	snop  }
0x5: {  	_ = 	snop  }
0x6: {  	_ = 	snop  }
0x7: {  	_ = 	snop  }
__scs_overlays_trampoline_lowered:
0x8: {  	[smem:$0x3FAC] =	sst s0  }
0x9: {  	[smem:$0x3FAD] =	sst s1  }
0xa: {  	[smem:$0x3FAE] =	sst s2  }
0xb: {  	[smem:$0x3FAF] =	sst s3  }
0xc: {  	[smem:$0x3FB0] =	sst s4  }
0xd: {  	[smem:$0x3FB1] =	sst s5  }
0xe: {  	[smem:$0x3FB2] =	sst s6  }
0xf: {  	[smem:$0x3FB3] =	sst s7  }
0x10: {  	[smem:$0x3FB4] =	sst s8  }
0x11: {  	[smem:$0x3FB5] =	sst s9;
	s0 =	simm.s32 @!p0 $0x0  }
0x12: {  	s1 =	sld [smem:$0x3F9B];
	s0 =	simm.s32 @p0 $0x1  }
0x13: {  	[smem:$0x3FB6] =	sst s0;
	s0 =	simm.s32 @!p1 $0x0  }
0x14: {  	s2 =	sld [smem:$0x3F9A];
	s0 =	simm.s32 @p1 $0x1  }
0x15: {  	[smem:$0x3FB7] =	sst s0;
	s0 =	simm.s32 @!p2 $0x0  }
0x16: {  	s3 =	sld [smem:$0x3FDB];
	s0 =	simm.s32 @p2 $0x1  }
0x17: {  	s4 =	simm.s32 $0x1BF5;
	[smem:$0x3FB9] =	sst s0  }
0x18: {  	s0 =	sld [smem:$0x3F9C];
	_ =	swait.ge [sflag:s4], $0x0  }
0x19: {  	s7 =	sld [smem:$0x3F9D]  }
0x1a: {  	s8 =	sadd.s32 $0xFFFFE003, lr  }
0x1b: {  	s9 =	sadd.s32 $0xFFFFFEF7, lr;
	s5 =	simm.s32 $0xFFFFFFFF;
	p2 =	slt.u32 s8, $0xFFFFF086  }
0x1c: {  	p1 =	slt.u32 s9, $0xF7A;
	s5 =	simm.s32 @!p2 $0x0  }
0x1d: {  	s5 =	simm.s32 @p1 $0x1;
	p0 =	seq.s32 s7, s2  }
0x1e: {  	s7 =	smul.u32 @!p0 $0xF7A, s2;
	p2 =	seq.s32 @!p0 s5, $0x0  }
0x1f: {  	s9 =	smul.u32 $0xF7A, s1;
	s8 =	simm.s32 @!p0 $0x1BF5;
	p2 =	por !p2, p0  }
0x20: {  	[sflag:s8] =	ssyncset.s32 @!p0 $0xFFFFF086;
	s6 =	sadd.s32 @!p0 s3, s7;
	s7 =	simm.s32 @!p0 $0x108  }
0x21: {  	s3 =	sadd.s32 s3, s9;
	s6 =	sadd.s32 @!p0 $0x88, s6;
	s7 =	simm.s32 @p2 $0x1082  }
0x22: {  	[simem:s7], [sflag:s8] =	dma.local @!p0 [hbm:s6], $0xF7A  }
0x23: {  	s9 =	sor.u32 $0xD0000000, s2;
	s6 =	simm.s32 $0x108;
	_ =	swait.ge @!p0 [sflag:s8], $0x0  }
0x24: {  	s3 =	sadd.s32 $0x88, s3;
	s6 =	simm.s32 @!p1 $0x1082;
	[sflag:s4] =	ssyncset.s32 $0xFFFFF086  }
0x25: {  	[simem:s6], [sflag:s4] =	dma.local [hbm:s3], $0xF7A  }
0x26: {  	[smem:$0x3F9D] =	sst s1;
	(tag) =	ssettag s2;
	_ =	strace s9  }
0x27: {  	s1 =	sld [smem:$0x3FAD]  }
0x28: {  	s2 =	sld [smem:$0x3FAE]  }
0x29: {  	s4 =	sld [smem:$0x3FB0]  }
0x2a: {  	p0 =	seq.s32 s5, $0x0;
	s5 =	sld [smem:$0x3FB1]  }
0x2b: {  	s6 =	sld [smem:$0x3FB2]  }
0x2c: {  	s7 =	sld [smem:$0x3FB3]  }
0x2d: {  	s3 =	simm.s32 $0x108;
	s8 =	sld [smem:$0x3FB4]  }
0x2e: {  	s3 =	simm.s32 @!p0 $0x1082;
	s9 =	sld [smem:$0x3FB5]  }
0x2f: {  	lr =	sadd.s32 s0, s3;
	s0 =	sld [smem:$0x3FAC]  }
0x30: {  	s3 =	sld [smem:$0x3FAF]  }
0x31: {  	[smem:$0x3FB8] =	sst s10  }
0x32: {  	s10 =	sld [smem:$0x3FB6];
	_ =	sdelay $0x3  }
0x33: {  	p0 =	seq.s32 s10, $0x1;
	s10 =	sld [smem:$0x3FB8];
	_ =	sdelay $0x3  }
0x34: {  	[smem:$0x3FB8] =	sst s10  }
0x35: {  	s10 =	sld [smem:$0x3FB7];
	_ =	sdelay $0x3  }
0x36: {  	p1 =	seq.s32 s10, $0x1;
	s10 =	sld [smem:$0x3FB8];
	_ =	sdelay $0x3  }
0x37: {  	[smem:$0x3FB8] =	sst s10  }
0x38: {  	s10 =	sld [smem:$0x3FB9]  }
0x39: {  	_ = 	snop;
	(pc) =	sbr.ind lr, $3  }
0x3a: {  	_ = 	snop  }
0x3b: {  	_ = 	snop  }
0x3c: {  	p2 =	seq.s32 s10, $0x1;
	s10 =	sld [smem:$0x3FB8]  }
0x3d: {  	_ =	shalt  }
0x3e: {  	_ =	shalt  }
0x3f: {  	_ =	shalt  }
0x40: {  	_ =	shalt  }
0x41: {  	_ =	shalt  }
0x42: {  	_ =	shalt  }
0x43: {  	_ =	shalt  }
0x44: {  	_ =	shalt  }
0x45: {  	_ =	shalt  }
0x46: {  	_ =	shalt  }
0x47: {  	_ =	shalt  }
0x48: {  	_ =	shalt  }
0x49: {  	_ =	shalt  }
0x4a: {  	_ =	shalt  }
0x4b: {  	_ =	shalt  }
0x4c: {  	_ =	shalt  }
0x4d: {  	_ =	shalt  }
0x4e: {  	_ =	shalt  }
0x4f: {  	_ =	shalt  }
0x50: {  	_ =	shalt  }
0x51: {  	_ =	shalt  }
0x52: {  	_ =	shalt  }
0x53: {  	_ =	shalt  }
0x54: {  	_ =	shalt  }
0x55: {  	_ =	shalt  }
0x56: {  	_ =	shalt  }
0x57: {  	_ =	shalt  }
0x58: {  	_ =	shalt  }
0x59: {  	_ =	shalt  }
0x5a: {  	_ =	shalt  }
0x5b: {  	_ =	shalt  }
0x5c: {  	_ =	shalt  }
0x5d: {  	_ =	shalt  }
0x5e: {  	_ =	shalt  }
0x5f: {  	_ =	shalt  }
0x60: {  	_ =	shalt  }
0x61: {  	_ =	shalt  }
0x62: {  	_ =	shalt  }
0x63: {  	_ =	shalt  }
0x64: {  	_ =	shalt  }
0x65: {  	_ =	shalt  }
0x66: {  	_ =	shalt  }
0x67: {  	_ =	shalt  }
0x68: {  	_ =	shalt  }
0x69: {  	_ =	shalt  }
0x6a: {  	_ =	shalt  }
0x6b: {  	_ =	shalt  }
0x6c: {  	_ =	shalt  }
0x6d: {  	_ =	shalt  }
0x6e: {  	_ =	shalt  }
0x6f: {  	_ =	shalt  }
0x70: {  	_ =	shalt  }
0x71: {  	_ =	shalt  }
0x72: {  	_ =	shalt  }
0x73: {  	_ =	shalt  }
0x74: {  	_ =	shalt  }
0x75: {  	_ =	shalt  }
0x76: {  	_ =	shalt  }
0x77: {  	_ =	shalt  }
0x78: {  	_ =	shalt  }
0x79: {  	_ =	shalt  }
0x7a: {  	_ =	shalt  }
0x7b: {  	_ =	shalt  }
0x7c: {  	_ =	shalt  }
0x7d: {  	_ =	shalt  }
0x7e: {  	_ =	shalt  }
0x7f: {  	_ =	shalt  }
0x80: {  	_ =	shalt  }
0x81: {  	_ =	shalt  }
0x82: {  	_ =	shalt  }
0x83: {  	_ =	shalt  }
0x84: {  	_ =	shalt  }
0x85: {  	_ =	shalt  }
0x86: {  	_ =	shalt  }
0x87: {  	_ =	shalt  }
.Lfunc_end0:
.L_simem_size_0:
called_computation_lowered:
.L_overlay_start_0:
0x88: {  	s0 =	sld [smem:$0x3FD9]  }
0x89: {  	s1 =	sld [smem:$0x3FFE];
	_ =	sdelay $0x3  }
0x8a: {  	s0 =	sadd.s32 s1, s0  }
0x8b: {  	[smem:$0x3FC4] =	sst s0  }
0x8c: {  	_ = 	snop  }
0x8d: {  	s0 =	sld [smem:$0x3FC9]  }
0x8e: {  	s14 =	sld [smem:$0x3FD0]  }
0x8f: {  	s2 =	sld [smem:$0x3FC8]  }
0x90: {  	s3 =	sld [smem:$0x3FC7]  }
0x91: {  	s5 =	simm.s32 $0xA;
	s6 =	simm.s32 $0x10;
	s4 =	sld [smem:$0x3FC6]  }
0x92: {  	[smem:s6], [sflag:s5] =	dma.local [hbm:s14], $0x1  }
0x93: {  	_ =	swait.eq [sflag:s5], $0x1  }
0x94: {  	s15 =	sld [smem:$0x10];
	[sflag:s5] =	ssyncset.done $0x0  }
0x95: {  	s16 =	sld [smem:$0x11];
	[sflag:s5] =	ssyncadd.s32 $0xFFFFFFFF  }
0x96: {  	s17 =	sld [smem:$0x12];
	(tm) =	ssettm $0x1  }
0x97: {  	s7 =	sld [smem:$0x3FFB];
	_ =	sdelay $0x3  }
0x98: {  	_ =	strace s7  }
0x99: {  	s7 =	sld [smem:$0x3FFC];
	_ =	sdelay $0x3  }
0x9a: {  	_ =	strace s7  }
0x9b: {  	s7 =	sld [smem:$0x3FFD];
	_ =	sdelay $0x3  }
0x9c: {  	_ =	strace s7  }
0x9d: {  	_ =	strace $0x8FFFFFFF  }
0x9e: {  	s18 =	sld [smem:$0x3FDB];
	_ =	sdelay $0x1  }
0x9f: {  	s8 =	simm.s32 $_scs_section_size  }
0xa0: {  	s9 =	simm.s32 $_size__tile_overlayer_lowered;
	s10 =	simm.s32 $_tile_overlayer_lowered  }
0xa1: {  	s21 =	simm.s32 $0x1BFF;
	s20 =	sshll.u32 s10, $0x1;
	s7 =	sadd.s32 s8, s18  }
0xa2: {  	s11 =	simm.s32 $0x0;
	s19 =	sshll.u32 s9, $0x1;
	s9 =	sadd.s32 s20, s7  }
0xa3: {  	[timem:s11], [sflag:s21] =	dma.local [hbm:s9], s19  }
0xa4: {  	_ =	swait.ge [sflag:s21], s19  }
0xa5: {  	s8 =	ssub.s32 $0x0, s19;
	[sflag:s21] =	ssyncset.done $0x0  }
0xa6: {  	[sflag:s21] =	ssyncadd.s32 s8;
	_ =	sdelay $0x1  }
0xa7: {  	s22 =	simm.s32 $0x1B8B  }
0xa8: {  	_ =	swait.ge [sflag:s22], $0x1  }
0xa9: {  	[sflag:s22] =	ssyncset.done $0x0  }
0xaa: {  	s23 =	simm.s32 $0x1B8E;
	[sflag:s22] =	ssyncadd.s32 $0xFFFFFFFF  }
0xab: {  	s24 =	simm.s32 $execute0_lowered;
	[smem:$0x3FD2] =	sst s23  }
0xac: {  	s8 =	sshll.u32 s24, $0x1;
	_ =	strace $0x80000046;
	[dreg:$0x1] =	wrdreg $0xFFFFFFFF  }
0xad: {  	s25 =	simm.s32 $_size_execute0_lowered;
	s7 =	sadd.s32 s7, s8;
	[dreg:$0x0] =	wrdreg $0x0  }
0xae: {  	s8 =	sshll.u32 s25, $0x1;
	[dreg:$0x2] =	wrdreg s7  }
0xaf: {  	[dreg:$0x3] =	wrdreg s8  }
0xb0: {  	[dreg:$0x4] =	wrdreg $0xC0  }
0xb1: {  	_ =	task [dreg:s11], $0x5FFFF  }
0xb2: {  	[dreg:$0x1] =	wrdreg $0xFFFFFFFF  }
0xb3: {  	[dreg:$0x0] =	wrdreg $0x60  }
0xb4: {  	[dreg:$0x2] =	wrdreg s0  }
0xb5: {  	[dreg:$0x3] =	wrdreg s2  }
0xb6: {  	[dreg:$0x4] =	wrdreg s3  }
0xb7: {  	[dreg:$0x5] =	wrdreg s4  }
0xb8: {  	[dreg:$0x6] =	wrdreg s15  }
0xb9: {  	[dreg:$0x7] =	wrdreg s16  }
0xba: {  	[dreg:$0x8] =	wrdreg s17  }
0xbb: {  	[dreg:$0x9] =	wrdreg $0x9  }
0xbc: {  	_ =	task.clear_ibuf [dreg:s11], $0xAFFFF;
	_ =	strace $0x90000046  }
0xbd: {  	s26 =	simm.s32 $0x9;
	_ =	strace $0x80000048  }
0xbe: {  	_ =	swait.ge [sflag:s26], $0x1  }
0xbf: {  	[sflag:s26] =	ssyncadd.s32 $0xFFFFFFFF  }
0xc0: {  	_ =	strace $0x90000048  }
0xc1: {  	_ =	sfence  }
0xc2: {  	s28 =	sld [smem:$0x0];
	_ =	sdelay $0x1  }
0xc3: {  	s29 =	srdreg.scid  }
0xc4: {  	s30 =	sshll.u32 s29, $0xD;
	s31 =	sshrl.u32 s29, $0x2  }
0xc5: {  	s1 =	sand.u32 $0x1, s29;
	s2 =	sand.u32 $0x4000, s30;
	s0 =	sadd.s32 s31, s28  }
0xc6: {  	s1 =	sor.u32 s2, s1;
	s0 =	sshll.u32 s0, $0x11  }
0xc7: {  	s0 =	sor.u32 s0, s1  }
0xc8: {  	s0 =	sadd.s32 $0x8F2B, s0  }
0xc9: {  	[sflag:s0] =	ssyncadd.remote.s32 $0x1  }
0xca: {  	_ =	sfence.sel $0xFFFF  }
0xcb: {  	[dreg:$0x0] =	wrdreg $0xFFFFFFFF;
	(pc) =	sbr.abs _section_cstart, $3  }
0xcc: {  	[dreg:$0x1] =	wrdreg $0xFFFFFFFF  }
0xcd: {  	_ =	task.clear_ibuf [dreg:s11], $0x2FFFF;
	_ =	strace $0x9FFFFFFF  }
0xce: {  	(tm) =	ssettm $0x7FFFFFFF  }
0xcf: {  	_ =	shalt  }
tec
execute0_lowered:
.L_overlay_start_1:
0x0: {  	(tag) =	ssettag $0x1  }
0x1: {  	s7 =	rddreg [dreg:$0x0]  }
0x2: {  	s4 =	rddreg [dreg:$0x1]  }
0x3: {  	s6 =	rddreg [dreg:$0x2]  }
0x4: {  	s8 =	rddreg [dreg:$0x3]  }
0x5: {  	s5 =	rddreg [dreg:$0x4]  }
0x6: {  	s3 =	rddreg [dreg:$0x5]  }
0x7: {  	s1 =	rddreg [dreg:$0x6];
	s2 =	simm.s32 $0x0  }
0x8: {  	[smem:$0x7FF] =	sst s2  }
0x9: {  	s0 =	rddreg [dreg:$0x7];
	s9 =	simm.s32 $0x200;
	_ =	strace $0x80000047  }
0xa: {  	[tilespmem:s9], [sflag:$0x2] =	stream.linear.gather [hbm4b:s4+s2], $0x10, $0x38;
	[tilespmem:$0x480] =	vst v63  }
0xb: {  	s17 =	simm.s32 $0x280;
	s18 =	simm.s32 $0x2  }
0xc: {  	[tilespmem:s17], [sflag:$0x2] =	stream.linear.gather [hbm4b:s8+s2], $0x10, $0x38;
	[tilespmem:$0x480] =	vst v63  }
0xd: {  	_ =	swait.ge [sflag:s18], $0x10  }
0xe: {  	[sflag:s18] =	ssyncset.done $0x0  }
0xf: {  	[sflag:s18] =	ssyncadd.s32 $0xFFFFFFF0  }
0x10: {  	_ =	swait.ge [sflag:s18], $0x10  }
0x11: {  	[sflag:s18] =	ssyncset.done $0x0  }
0x12: {  	[sflag:s18] =	ssyncadd.s32 $0xFFFFFFF0  }
0x13: {  	v1 =	vld [tilespmem:$0x200];
	_ =	sdelay $0x2  }
0x14: {  	s19 =	stileid.u32;
	v2 =	vld [tilespmem:$0x280]  }
0x15: {  	v4 =	vmov s19  }
0x16: {  	v3 =	vperm.xlane v1, v4;
	_ =	sdelay $0x1  }
0x17: {  	v0 =	vand.u32 $0xFFFFFFF8, v3  }
0x18: {  	v5 =	vperm.xlane v2, v4;
	vm0 =	vlt.s32 v0, $0xF78  }
0x19: {  	v0 =	vnsel vm0, $0xF78, v0  }
0x1a: {  	v6 =	vand.u32 $0xFFFFFFF8, v5;
	v0 =	vxor.u32 $0x80000000, v0  }
0x1b: {  	vm7 =	vlt.s32 v6, $0xF78;
	(xrf0) =	vmax.scan.msk.u32 $0xffff, v0  }
0x1c: {  	v35 =	vnsel vm7, $0xF78, v6  }
0x1d: {  	v0 =	vxor.u32 $0x80000000, v35  }
0x1e: {  	(xrf0) =	vmax.scan.msk.u32 $0xffff, v0;
	_ =	sdelay $0x2  }
0x1f: {  	v36, _, _ =	vpop (xrf0)  }
0x20: {  	(v2sf) =	vpush v36, $0xF;
	_ =	sdelay $0x1  }
0x21: {  	v38 =	vimm.s32 $0xFFEDCBA9;
	v39 =	vimm.s32 $0x87654321;
	v37, _, _ =	vpop (xrf0)  }
0x22: {  	v6 =	vunpack.c.l.s4.s8 v39;
	v0 =	vunpack.c.l.s4.s8 v38;
	(v2sf) =	vpush v37, $0xF;
	_ =	sdelay $0x1  }
0x23: {  	v6 =	vunpack.c.0.s8.s32 v6;
	v0 =	vunpack.c.0.s8.s32 v0;
	_ =	sdelay $0x1  }
0x24: {  	v0 =	vcombine.low v6, v0;
	_ =	sdelay $0x1  }
0x25: {  	v6 =	vand.u32 $0xF, v0  }
0x26: {  	v0 =	vlaneseq.u32;
	v7 =	vperm.xlane v2, v6  }
0x27: {  	vm8 =	veq.s32 v0, $0xF  }
0x28: {  	v7 =	vsel vm8, $0x1000, v7  }
0x29: {  	v6 =	vperm.xlane v1, v6;
	v2 =	vsub.s32 v7, v2  }
0x2a: {  	v7 =	vsub.s32 $0x7D, v2  }
0x2b: {  	v6 =	vsel vm8, $0x1000, v6;
	vm9 =	vgt.s32 v7, $0x3F;
	s20 =	spop (v2sf)  }
0x2c: {  	v1 =	vsub.s32 v6, v1;
	v40 =	vnsel vm9, $0x3F, v7;
	s8 =	sxor.u32 $0x80000000, s20  }
0x2d: {  	vm0 =	vlt.s32 v1, v40;
	v8 =	vmov s8  }
0x2e: {  	v42 =	vsel vm0, v1, v40;
	s21 =	spop (v2sf);
	v41 =	vsub.s32 $0x0, v8  }
0x2f: {  	v1 =	vperm.xlane v42, v4;
	s10 =	sshrl.u32 s8, $0x3;
	s22 =	sxor.u32 $0x80000000, s21;
	v7 =	vbroadcast v41, $0x0  }
0x30: {  	s7 =	sadd.s32 s7, s10;
	s23 =	sshrl.u32 s22, $0x3  }
0x31: {  	v9 =	vadd.s32 $0xFFFFFFFF, v0;
	v44 =	vadd.s32 s22, v1;
	[tilespmem:s2], [sflag:$0x1] =	stream.linear.gather [hbm4b:s7+s2], $0x88, $0x38;
	v3 =	vadd.s32 v7, v3;
	[tilespmem:$0x480] =	vst v63  }
0x32: {  	s24 =	simm.s32 $0x100;
	s25 =	simm.s32 $0x1;
	v11 =	vadd.s32 $0xFFFFFFFE, v0;
	s7 =	sadd.s32 s6, s23;
	v6 =	vsub.s32 v5, v44;
	v43 =	vadd.s32 v9, v3  }
0x33: {  	v47 =	vadd.s32 v11, v6;
	[tilespmem:s24], [sflag:$0x1] =	stream.linear.gather [hbm4b:s7+s2], $0x88, $0x38;
	vm10 =	vgt.s32 v43, $0x0;
	[tilespmem:$0x480] =	vst v63  }
0x34: {  	vm13 =	vcmask $0x3F04;
	vm1 =	vgt.s32 v47, $0x0;
	_ =	swait.ge [sflag:s25], $0x88;
	v10 =	vnsel vm10, $0x0, v43  }
0x35: {  	v45 =	vsub.s32 $0x7D, v42;
	v48 =	vnsel vm1, $0x0, v47;
	[sflag:s25] =	ssyncset.done $0x0;
	v46 =	vmin.u32 v10, $0x87  }
0x36: {  	vm15 =	vcmask $0x300;
	vm11 =	vlt.s32 v2, v45;
	v49 =	vmin.u32 v48, $0x87;
	[sflag:s25] =	ssyncadd.s32 $0xFFFFFF78  }
0x37: {  	v51 =	vadd.s32 $0x1, v0;
	v54 =	vadd.s32 $0xF, v0;
	v2 =	vsel vm11, v2, v45;
	_ =	swait.ge [sflag:s25], $0x88  }
0x38: {  	v12 =	vadd.s32 $0xE, v0;
	vm12 =	vgt.s32 v1, v9;
	v2 =	vperm.xlane v2, v4;
	[sflag:s25] =	ssyncset.done $0x0  }
0x39: {  	vm0 =	vmand vm12, vm13;
	v4 =	vimm.s32 $0x0;
	v5 =	vadd.s32 $0x2, v1;
	[sflag:s25] =	ssyncadd.s32 $0xFFFFFF78  }
0x3a: {  	v53 =	vsel vm15, $0x65, v4;
	v2 =	vadd.s32 v2, v5;
	vm2 =	vlt.s32 v5, v51;
	v50 =	vld.idx.msk [tilespmem:v46+s2+$0x0], $0xffff  }
0x3b: {  	v12 =	vadd.s32 v12, v6;
	vm3 =	vgt.s32 v2, v9;
	v55 =	vadd.s32 v54, v3;
	v52 =	vld.idx.msk [tilespmem:v49+s24+$0x0], $0xffff  }
0x3c: {  	v7 =	vadd.s32 $0x1, v1;
	vm5 =	veq.s32 v2, v0;
	vm6 =	vgt.s32 v55, $0x0  }
0x3d: {  	vm7 =	vgt.s32 v12, $0x0;
	vm14 =	vmand vm2, vm3;
	v10 =	vnsel vm6, $0x0, v55  }
0x3e: {  	vm4 =	veq.s32 v7, v0;
	v57 =	vnsel vm7, $0x0, v12;
	v56 =	vmin.u32 v10, $0x87  }
0x3f: {  	v58 =	vsel vm3, $0x1, v4;
	v10 =	vmin.u32 v57, $0x87;
	v8 =	vsel vm0, v50, v53  }
0x40: {  	v59 =	vsel vm14, $0x1, v4;
	[tilespmem:$0x380] =	vst v58;
	vm0 =	vmor vm4, vm5;
	v8 =	vsel vm14, v52, v8  }
0x41: {  	[tilespmem:$0x400] =	vst v59;
	v8 =	vsel vm0, $0x66, v8  }
0x42: {  	[tilespmem:$0x300] =	vst v8  }
0x43: {  	v60 =	vadd.s32 $0x11, v0;
	v61 =	vor.u32 $0x10, v0;
	v62 =	vadd.s32 $0x1F, v0;
	v8 =	vld.idx.msk [tilespmem:v56+s2+$0x0], $0xffff  }
0x44: {  	v16 =	vadd.s32 $0x1E, v0;
	vm8 =	vgt.s32 v1, v54;
	vm9 =	vlt.s32 v5, v60;
	v10 =	vld.idx.msk [tilespmem:v10+s24+$0x0], $0xffff  }
0x45: {  	vm12 =	veq.s32 v2, v61;
	vm11 =	veq.s32 v7, v61;
	v63 =	vadd.s32 v62, v3  }
0x46: {  	v12 =	vadd.s32 v16, v6;
	vm13 =	vgt.s32 v63, $0x0;
	vm10 =	vgt.s32 v2, v54  }
0x47: {  	v9 =	vnsel vm13, $0x0, v63;
	vm1 =	vmand vm9, vm10;
	vm14 =	vgt.s32 v12, $0x0  }
0x48: {  	v9 =	vmin.u32 v9, $0x87;
	v17 =	vnsel vm14, $0x0, v12;
	v8 =	vnsel vm8, $0x0, v8  }
0x49: {  	v18 =	vsel vm10, $0x1, v4;
	v8 =	vsel vm1, v10, v8;
	v10 =	vmin.u32 v17, $0x87  }
0x4a: {  	vm3 =	vmor vm11, vm12;
	v19 =	vsel vm1, $0x1, v4;
	[tilespmem:$0x390] =	vst v18  }
0x4b: {  	[tilespmem:$0x410] =	vst v19;
	v8 =	vsel vm3, $0x66, v8  }
0x4c: {  	[tilespmem:$0x310] =	vst v8  }
0x4d: {  	v20 =	vadd.s32 $0x21, v0;
	v21 =	vor.u32 $0x20, v0;
	v22 =	vadd.s32 $0x2F, v0;
	v8 =	vld.idx.msk [tilespmem:v9+s2+$0x0], $0xffff  }
0x4e: {  	v24 =	vadd.s32 $0x2E, v0;
	vm15 =	vgt.s32 v1, v62;
	v23 =	vadd.s32 v22, v3;
	v10 =	vld.idx.msk [tilespmem:v10+s24+$0x0], $0xffff  }
0x4f: {  	vm7 =	vlt.s32 v5, v20;
	vm11 =	vgt.s32 v23, $0x0;
	v12 =	vadd.s32 v24, v6  }
0x50: {  	vm9 =	veq.s32 v7, v21;
	vm10 =	veq.s32 v2, v21;
	vm12 =	vgt.s32 v12, $0x0  }
0x51: {  	v25 =	vnsel vm12, $0x0, v12;
	vm8 =	vgt.s32 v2, v62;
	v9 =	vnsel vm11, $0x0, v23  }
0x52: {  	vm1 =	vmand vm7, vm8;
	v9 =	vmin.u32 v9, $0x87;
	v8 =	vnsel vm15, $0x0, v8  }
0x53: {  	v26 =	vsel vm8, $0x1, v4;
	v8 =	vsel vm1, v10, v8;
	v10 =	vmin.u32 v25, $0x87  }
0x54: {  	vm3 =	vmor vm9, vm10;
	v27 =	vsel vm1, $0x1, v4;
	[tilespmem:$0x3A0] =	vst v26  }
0x55: {  	[tilespmem:$0x420] =	vst v27;
	v8 =	vsel vm3, $0x66, v8  }
0x56: {  	[tilespmem:$0x320] =	vst v8  }
0x57: {  	v28 =	vadd.s32 $0x31, v0;
	v29 =	vor.u32 $0x30, v0;
	v30 =	vadd.s32 $0x3F, v0;
	v8 =	vld.idx.msk [tilespmem:v9+s2+$0x0], $0xffff  }
0x58: {  	v32 =	vadd.s32 $0x3E, v0;
	v31 =	vadd.s32 v30, v3;
	vm13 =	vgt.s32 v1, v22;
	v10 =	vld.idx.msk [tilespmem:v10+s24+$0x0], $0xffff  }
0x59: {  	vm14 =	vlt.s32 v5, v28;
	v12 =	vadd.s32 v32, v6;
	vm8 =	veq.s32 v7, v29  }
0x5a: {  	vm9 =	veq.s32 v2, v29;
	vm10 =	vgt.s32 v31, $0x0;
	vm11 =	vgt.s32 v12, $0x0  }
0x5b: {  	v33 =	vnsel vm11, $0x0, v12;
	vm15 =	vgt.s32 v2, v22;
	v9 =	vnsel vm10, $0x0, v31  }
0x5c: {  	vm1 =	vmand vm14, vm15;
	v9 =	vmin.u32 v9, $0x87;
	v8 =	vnsel vm13, $0x0, v8  }
0x5d: {  	v34 =	vsel vm15, $0x1, v4;
	v8 =	vsel vm1, v10, v8;
	v10 =	vmin.u32 v33, $0x87  }
0x5e: {  	vm3 =	vmor vm8, vm9;
	v35 =	vsel vm1, $0x1, v4;
	[tilespmem:$0x3B0] =	vst v34  }
0x5f: {  	[tilespmem:$0x430] =	vst v35;
	v8 =	vsel vm3, $0x66, v8  }
0x60: {  	[tilespmem:$0x330] =	vst v8  }
0x61: {  	v36 =	vadd.s32 $0x41, v0;
	v37 =	vor.u32 $0x40, v0;
	v38 =	vadd.s32 $0x4F, v0;
	v8 =	vld.idx.msk [tilespmem:v9+s2+$0x0], $0xffff  }
0x62: {  	v40 =	vadd.s32 $0x4E, v0;
	v39 =	vadd.s32 v38, v3;
	vm12 =	vgt.s32 v1, v30;
	v10 =	vld.idx.msk [tilespmem:v10+s24+$0x0], $0xffff  }
0x63: {  	v12 =	vadd.s32 v40, v6;
	vm14 =	vgt.s32 v2, v30;
	vm15 =	veq.s32 v7, v37  }
0x64: {  	vm8 =	veq.s32 v2, v37;
	vm9 =	vgt.s32 v39, $0x0;
	vm10 =	vgt.s32 v12, $0x0  }
0x65: {  	v41 =	vnsel vm10, $0x0, v12;
	vm13 =	vlt.s32 v5, v36;
	v9 =	vnsel vm9, $0x0, v39  }
0x66: {  	vm1 =	vmand vm13, vm14;
	v9 =	vmin.u32 v9, $0x87;
	v8 =	vnsel vm12, $0x0, v8  }
0x67: {  	v42 =	vsel vm14, $0x1, v4;
	v8 =	vsel vm1, v10, v8;
	v10 =	vmin.u32 v41, $0x87  }
0x68: {  	vm3 =	vmor vm15, vm8;
	v43 =	vsel vm1, $0x1, v4;
	[tilespmem:$0x3C0] =	vst v42  }
0x69: {  	[tilespmem:$0x440] =	vst v43;
	v8 =	vsel vm3, $0x66, v8  }
0x6a: {  	v47 =	vadd.s32 $0x5F, v0;
	v49 =	vadd.s32 $0x5E, v0;
	[tilespmem:$0x340] =	vst v8  }
0x6b: {  	v45 =	vadd.s32 $0x51, v0;
	v48 =	vadd.s32 v47, v3;
	v51 =	vadd.s32 v49, v6;
	v8 =	vld.idx.msk [tilespmem:v9+s2+$0x0], $0xffff  }
0x6c: {  	v46 =	vor.u32 $0x50, v0;
	vm11 =	vgt.s32 v1, v38;
	vm10 =	vgt.s32 v51, $0x0;
	v44 =	vld.idx.msk [tilespmem:v10+s24+$0x0], $0xffff  }
0x6d: {  	vm13 =	vgt.s32 v2, v38;
	vm14 =	veq.s32 v7, v46;
	vm8 =	vgt.s32 v48, $0x0  }
0x6e: {  	vm15 =	veq.s32 v2, v46;
	v52 =	vsel vm13, $0x1, v4;
	v50 =	vnsel vm8, $0x0, v48  }
0x6f: {  	vm12 =	vlt.s32 v5, v45;
	v9 =	vmin.u32 v50, $0x87;
	v10 =	vnsel vm10, $0x0, v51  }
0x70: {  	vm1 =	vmand vm12, vm13;
	v10 =	vmin.u32 v10, $0x87;
	v8 =	vnsel vm11, $0x0, v8  }
0x71: {  	vm9 =	vmor vm14, vm15;
	v53 =	vsel vm1, $0x1, v4;
	[tilespmem:$0x3D0] =	vst v52;
	v8 =	vsel vm1, v44, v8  }
0x72: {  	v56 =	vadd.s32 $0x6F, v0;
	[tilespmem:$0x450] =	vst v53;
	v8 =	vsel vm9, $0x66, v8  }
0x73: {  	v3 =	vadd.s32 v56, v3;
	[tilespmem:$0x350] =	vst v8  }
0x74: {  	v54 =	vadd.s32 $0x61, v0;
	v57 =	vadd.s32 $0x6E, v0;
	vm8 =	vgt.s32 v3, $0x0;
	v8 =	vld.idx.msk [tilespmem:v9+s2+$0x0], $0xffff  }
0x75: {  	v55 =	vor.u32 $0x60, v0;
	v6 =	vadd.s32 v57, v6;
	v3 =	vnsel vm8, $0x0, v3;
	v10 =	vld.idx.msk [tilespmem:v10+s24+$0x0], $0xffff  }
0x76: {  	vm14 =	veq.s32 v7, v55;
	vm15 =	veq.s32 v2, v55;
	v3 =	vmin.u32 v3, $0x87  }
0x77: {  	vm12 =	vlt.s32 v5, v54;
	vm13 =	vgt.s32 v2, v47;
	vm9 =	vgt.s32 v6, $0x0  }
0x78: {  	v58 =	vsel vm13, $0x1, v4;
	vm11 =	vgt.s32 v1, v47;
	v6 =	vnsel vm9, $0x0, v6  }
0x79: {  	vm1 =	vmand vm12, vm13;
	v6 =	vmin.u32 v6, $0x87;
	v8 =	vnsel vm11, $0x0, v8  }
0x7a: {  	vm3 =	vmor vm14, vm15;
	v59 =	vsel vm1, $0x1, v4;
	[tilespmem:$0x3E0] =	vst v58;
	v8 =	vsel vm1, v10, v8  }
0x7b: {  	[tilespmem:$0x460] =	vst v59;
	v8 =	vsel vm3, $0x66, v8  }
0x7c: {  	[tilespmem:$0x360] =	vst v8  }
0x7d: {  	v3 =	vld.idx.msk [tilespmem:v3+s2+$0x0], $0xffff  }
0x7e: {  	v6 =	vld.idx.msk [tilespmem:v6+s24+$0x0], $0xffff  }
0x7f: {  	v60 =	vadd.s32 $0x71, v0;
	v0 =	vor.u32 $0x70, v0  }
0x80: {  	vm14 =	veq.s32 v2, v0;
	vm10 =	vlt.s32 v5, v60  }
0x81: {  	vm12 =	vgt.s32 v1, v56;
	vm13 =	veq.s32 v7, v0;
	vm11 =	vgt.s32 v2, v56  }
0x82: {  	vm0 =	vmand vm10, vm11;
	v62 =	vsel vm11, $0x1, v4;
	v61 =	vnsel vm12, $0x0, v3  }
0x83: {  	vm15 =	vmor vm13, vm14;
	v63 =	vsel vm0, $0x1, v4;
	[tilespmem:$0x3F0] =	vst v62;
	v0 =	vsel vm0, v6, v61  }
0x84: {  	s26 =	sshll.u32 s19, $0x4;
	[tilespmem:$0x470] =	vst v63;
	v0 =	vsel vm15, $0x66, v0  }
0x85: {  	s28 =	simm.s32 $0x300;
	s5 =	sadd.s32 s5, s26;
	[tilespmem:$0x370] =	vst v0  }
0x86: {  	[hbm4b:s5+s2] =	stream.linear.scatter [tilespmem:s28], [sflag:$0x3], $0x80, $0x38;
	[tilespmem:$0x480] =	vst v63  }
0x87: {  	s29 =	simm.s32 $0x380;
	s3 =	sadd.s32 s3, s26  }
0x88: {  	[hbm4b:s3+s2] =	stream.linear.scatter [tilespmem:s29], [sflag:$0x3], $0x80, $0x38;
	[tilespmem:$0x480] =	vst v63  }
0x89: {  	s30 =	simm.s32 $0x400;
	s31 =	simm.s32 $0x3;
	s1 =	sadd.s32 s1, s26  }
0x8a: {  	[hbm4b:s1+s2] =	stream.linear.scatter [tilespmem:s30], [sflag:$0x3], $0x80, $0x38;
	[tilespmem:$0x480] =	vst v63  }
0x8b: {  	_ =	swait.ge [sflag:s31], $0x80  }
0x8c: {  	[sflag:s31] =	ssyncset.done $0x0  }
0x8d: {  	[sflag:s31] =	ssyncadd.s32 $0xFFFFFF80  }
0x8e: {  	_ =	swait.ge [sflag:s31], $0x80  }
0x8f: {  	[sflag:s31] =	ssyncset.done $0x0  }
0x90: {  	[sflag:s31] =	ssyncadd.s32 $0xFFFFFF80  }
0x91: {  	_ =	swait.ge [sflag:s31], $0x80  }
0x92: {  	[sflag:s31] =	ssyncset.done $0x0  }
0x93: {  	[sflag:s31] =	ssyncadd.s32 $0xFFFFFF80  }
0x94: {  	_ =	sfence.sel $0x180000  }
0x95: {  	[bflag:$0x0] =	sbarrier.arrive $0xFFFF  }
0x96: {  	p0 =	sne.s32 s19, $0x0;
	_ =	strace $0x90000047  }
0x97: {  	s0 =	sadd.s32 @!p0 $0x100000, s0;
	[bflag:$0x2] =	sbarrier.arrive $0xFFFF  }
0x98: {  	[sflag:s0] =	ssyncadd.tile.s32 @!p0 $0x1;
	_ =	shalt  }
.Lfunc_end2:
_tile_overlayer_lowered:
.L_overlay_start_2:
0x99: {  	(tag) =	ssettag $0x2  }
0x9a: {  	s0 =	rddreg [dreg:$0x0];
	s2 =	stileid.u32  }
0x9b: {  	s1 =	rddreg [dreg:$0x1];
	p0 =	sne.s32 s2, $0x0  }
0x9c: {  	s3 =	rddreg [dreg:$0x2];
	[bflag:$0x3] =	sbarrier.arrive $0xFFFF;
	s2 =	simm.s32 @!p0 $0x1C04  }
0x9d: {  	[timem:s3], [sflag:s2] =	dma.local @!p0 [hbm:s0], s1  }
0x9e: {  	s0 =	simm.s32 @!p0 $0x4  }
0x9f: {  	_ =	swait.ge @!p0 [sflag:s0], s1  }
0xa0: {  	s1 =	ssub.s32 @!p0 $0x0, s1;
	[sflag:s0] =	ssyncset.done @!p0 $0x0  }
0xa1: {  	[sflag:s0] =	ssyncadd.s32 @!p0 s1  }
0xa2: {  	[bflag:$0x3] =	sbarrier.arrive $0xFFFF  }
0xa3: {  	_ =	shalt  }

</sc_bundles>
